<compile_context>
chip_gen: v7x
topology: tpu7x:2x2x1
jax: 0.10.2.dev20260603
libtpu: 0.0.44.dev20260713+nightly
codegen_flags: <defaults>
</compile_context>

<pallas_src>
import functools

import jax
import jax.numpy as jnp
from jax import lax
from jax.experimental import pallas as pl
from jax.experimental.pallas import tpu as pltpu
from jax.experimental.pallas import tpu_sc as plsc

N = 10000
E = 320000
D = 128
H = 128
B = 64

NC = 2
NS = 16
NW = NC * NS
NPAD = 10240
RPS = NPAD // NS
EPW = E // NW
K = 80

_f32 = jnp.float32



def _sc_degree(dst, zeros_n):
    mesh = plsc.VectorSubcoreMesh(core_axis_name="c", subcore_axis_name="s")

    @functools.partial(
        pl.kernel,
        out_type=(jax.ShapeDtypeStruct((NPAD,), _f32),
                  jax.ShapeDtypeStruct((NPAD,), _f32)),
        mesh=mesh,
        scratch_types=[
            pltpu.VMEM_SHARED((NPAD,), _f32),
            pltpu.VMEM((K,), jnp.int32),
            pltpu.VMEM((K,), _f32),
        ],
    )
    def k(dst_hbm, z_hbm, out_a, out_b, acc, idx_v, ones_v):
        cid = lax.axis_index("c")
        sid = lax.axis_index("s")
        wid = sid * NC + cid
        for i in range(K // 16):
            ones_v[pl.ds(i * 16, 16)] = jnp.full((16,), 1.0, _f32)
        pltpu.sync_copy(z_hbm.at[pl.ds(sid * RPS, RPS)],
                        acc.at[pl.ds(sid * RPS, RPS)])
        plsc.subcore_barrier()

        base = wid * EPW

        def body(t, carry):
            pltpu.sync_copy(dst_hbm.at[pl.ds(base + t * K, K)], idx_v)
            pltpu.sync_copy(ones_v, acc.at[idx_v], add=True)
            return carry

        lax.fori_loop(0, EPW // K, body, 0)
        plsc.subcore_barrier()

        @pl.when(cid == 0)
        def _():
            pltpu.sync_copy(acc.at[pl.ds(sid * RPS, RPS)],
                            out_a.at[pl.ds(sid * RPS, RPS)])

        @pl.when(cid == 1)
        def _():
            pltpu.sync_copy(acc.at[pl.ds(sid * RPS, RPS)],
                            out_b.at[pl.ds(sid * RPS, RPS)])

    return k(dst, zeros_n)


def _sc_scatter_rows(hs, src, dst, zeros_rows):
    mesh = plsc.VectorSubcoreMesh(core_axis_name="c", subcore_axis_name="s")

    @functools.partial(
        pl.kernel,
        out_type=(jax.ShapeDtypeStruct((NPAD, H), _f32),
                  jax.ShapeDtypeStruct((NPAD, H), _f32)),
        mesh=mesh,
        scratch_types=[
            pltpu.VMEM_SHARED((NPAD, H), _f32),
            pltpu.VMEM((K,), jnp.int32),
            pltpu.VMEM((K,), jnp.int32),
            pltpu.VMEM((K, H), _f32),
            pltpu.SemaphoreType.DMA,
        ],
    )
    def k(hs_hbm, src_hbm, dst_hbm, z_hbm, out_a, out_b,
          acc, src_v, dst_v, rows_v, sem):
        cid = lax.axis_index("c")
        sid = lax.axis_index("s")
        wid = sid * NC + cid
        pltpu.sync_copy(z_hbm.at[pl.ds(sid * RPS, RPS)],
                        acc.at[pl.ds(sid * RPS, RPS)])
        plsc.subcore_barrier()

        base = wid * EPW

        def body(t, carry):
            off = base + t * K
            pltpu.sync_copy(src_hbm.at[pl.ds(off, K)], src_v)
            pltpu.sync_copy(dst_hbm.at[pl.ds(off, K)], dst_v)
            pltpu.async_copy(hs_hbm.at[src_v], rows_v, sem).wait()
            pltpu.sync_copy(rows_v, acc.at[dst_v], add=True)
            return carry

        lax.fori_loop(0, EPW // K, body, 0)
        plsc.subcore_barrier()

        @pl.when(cid == 0)
        def _():
            pltpu.sync_copy(acc.at[pl.ds(sid * RPS, RPS)],
                            out_a.at[pl.ds(sid * RPS, RPS)])

        @pl.when(cid == 1)
        def _():
            pltpu.sync_copy(acc.at[pl.ds(sid * RPS, RPS)],
                            out_b.at[pl.ds(sid * RPS, RPS)])

    return k(hs, src, dst, zeros_rows)



_R = 2048
_GRID = NPAD // _R


def _tc1(degt, xp, W1):
    def body(deg_ref, x_ref, w_ref, hs_ref, dinv_ref):
        d = deg_ref[:, 0:1] + deg_ref[:, 1:2] + 1.0
        di = lax.rsqrt(d)
        hw = jnp.dot(x_ref[...], w_ref[...], preferred_element_type=_f32)
        hs_ref[...] = hw * di
        dinv_ref[...] = di

    return pl.pallas_call(
        body,
        grid=(_GRID,),
        in_specs=[
            pl.BlockSpec((_R, 2), lambda i: (i, 0)),
            pl.BlockSpec((_R, D), lambda i: (i, 0)),
            pl.BlockSpec((D, H), lambda i: (0, 0)),
        ],
        out_specs=[
            pl.BlockSpec((_R, H), lambda i: (i, 0)),
            pl.BlockSpec((_R, 1), lambda i: (i, 0)),
        ],
        out_shape=[
            jax.ShapeDtypeStruct((NPAD, H), _f32),
            jax.ShapeDtypeStruct((NPAD, 1), _f32),
        ],
    )(degt, xp, W1)


def _tc2(s1a, s1b, hs1, dinv, b1r, W2):
    def body(sa_ref, sb_ref, hs_ref, di_ref, b_ref, w_ref, out_ref):
        di = di_ref[...]
        h1 = di * (sa_ref[...] + sb_ref[...] + hs_ref[...]) + b_ref[...]
        h1 = jnp.maximum(h1, 0.0)
        out_ref[...] = di * jnp.dot(h1, w_ref[...],
                                    preferred_element_type=_f32)

    return pl.pallas_call(
        body,
        grid=(_GRID,),
        in_specs=[
            pl.BlockSpec((_R, H), lambda i: (i, 0)),
            pl.BlockSpec((_R, H), lambda i: (i, 0)),
            pl.BlockSpec((_R, H), lambda i: (i, 0)),
            pl.BlockSpec((_R, 1), lambda i: (i, 0)),
            pl.BlockSpec((1, H), lambda i: (0, 0)),
            pl.BlockSpec((H, H), lambda i: (0, 0)),
        ],
        out_specs=pl.BlockSpec((_R, H), lambda i: (i, 0)),
        out_shape=jax.ShapeDtypeStruct((NPAD, H), _f32),
    )(s1a, s1b, hs1, dinv, b1r, W2)


def _tc3(s2a, s2b, hs2, dinv, b2r, batp, Wc, bcr):
    def body(sa_ref, sb_ref, hs_ref, di_ref, b_ref, bat_ref, wc_ref, bc_ref,
             out_ref, psum, pcnt):
        i = pl.program_id(0)

        @pl.when(i == 0)
        def _():
            psum[...] = jnp.zeros_like(psum)
            pcnt[...] = jnp.zeros_like(pcnt)

        h2 = di_ref[...] * (sa_ref[...] + sb_ref[...] + hs_ref[...]) \
            + b_ref[...]
        m = (bat_ref[...] ==
             lax.broadcasted_iota(jnp.int32, (_R, B), 1)).astype(_f32)
        psum[...] += lax.dot_general(m, h2, (((0,), (0,)), ((), ())),
                                     preferred_element_type=_f32)
        pcnt[...] += lax.dot_general(m, jnp.ones((_R, 1), _f32),
                                     (((0,), (0,)), ((), ())),
                                     preferred_element_type=_f32)

        @pl.when(i == pl.num_programs(0) - 1)
        def _():
            pooled = psum[...] / jnp.maximum(pcnt[...], 1.0)
            out_ref[...] = jnp.dot(pooled, wc_ref[...],
                                   preferred_element_type=_f32) + bc_ref[...]

    return pl.pallas_call(
        body,
        grid=(_GRID,),
        in_specs=[
            pl.BlockSpec((_R, H), lambda i: (i, 0)),
            pl.BlockSpec((_R, H), lambda i: (i, 0)),
            pl.BlockSpec((_R, H), lambda i: (i, 0)),
            pl.BlockSpec((_R, 1), lambda i: (i, 0)),
            pl.BlockSpec((1, H), lambda i: (0, 0)),
            pl.BlockSpec((_R, 1), lambda i: (i, 0)),
            pl.BlockSpec((H, 1), lambda i: (0, 0)),
            pl.BlockSpec((1, 1), lambda i: (0, 0)),
        ],
        out_specs=pl.BlockSpec((B, 1), lambda i: (0, 0)),
        out_shape=jax.ShapeDtypeStruct((B, 1), _f32),
        scratch_shapes=[
            pltpu.VMEM((B, H), _f32),
            pltpu.VMEM((B, 1), _f32),
        ],
    )(s2a, s2b, hs2, dinv, b2r, batp, Wc, bcr)



def kernel(x, edge_index, batch, W1, b1, W2, b2, Wc, bc):
    src = edge_index[0]
    dst = edge_index[1]

    xp = jnp.zeros((NPAD, D), _f32).at[:N].set(x)
    batp = jnp.full((NPAD, 1), B + 1, jnp.int32).at[:N, 0].set(batch)
    zeros_rows = jnp.zeros((NPAD, H), _f32)
    zeros_n = jnp.zeros((NPAD,), _f32)

    deg_a, deg_b = _sc_degree(dst, zeros_n)
    degt = jnp.stack([deg_a, deg_b], axis=1)

    hs1, dinv = _tc1(degt, xp, W1)
    s1a, s1b = _sc_scatter_rows(hs1, src, dst, zeros_rows)
    hs2 = _tc2(s1a, s1b, hs1, dinv, b1.reshape(1, H), W2)
    s2a, s2b = _sc_scatter_rows(hs2, src, dst, zeros_rows)
    out = _tc3(s2a, s2b, hs2, dinv, b2.reshape(1, H), batp,
               Wc, bc.reshape(1, 1))
    return out

# --- scband reference (transcript-rebuilt; emitter-appended) ---
"""Pipeline reference for scband-gnnwrapper-28621662060654 (READ-ONLY COPY).

The authoritative reference and input builder live on the scoring server;
editing this copy changes nothing except your own understanding.
"""

import jax, jax.numpy as jnp
import numpy as np

N = 10000
E = 320000
D = 128
H = 128
B = 64


def setup_inputs(seed: int = 0) -> dict:
    key = jax.random.key(seed)
    ks = jax.random.split(key, 10)
    x = jax.random.normal(ks[0], (N, D), dtype=jnp.float32)
    edge_index = jax.random.randint(ks[1], (2, E), 0, N, dtype=jnp.int32)
    batch = jnp.sort(jax.random.randint(ks[2], (N,), 0, B, dtype=jnp.int32))
    s1 = 1.0 / np.sqrt(D)
    s2 = 1.0 / np.sqrt(H)
    W1 = jax.random.normal(ks[3], (D, H), dtype=jnp.float32) * s1
    b1 = jnp.zeros((H,), dtype=jnp.float32)
    W2 = jax.random.normal(ks[4], (H, H), dtype=jnp.float32) * s2
    b2 = jnp.zeros((H,), dtype=jnp.float32)
    Wc = jax.random.normal(ks[5], (H, 1), dtype=jnp.float32) * s2
    bc = jnp.zeros((1,), dtype=jnp.float32)
    return {"x": x, "edge_index": edge_index, "batch": batch,
            "W1": W1, "b1": b1, "W2": W2, "b2": b2, "Wc": Wc, "bc": bc}


def reference(x, edge_index, batch, W1, b1, W2, b2, Wc, bc):
    # GNNWrapper with gnn_model=GCN (2 GCNConv layers, ReLU between),
    # global mean pooling, then a single Linear(hidden, 1) classifier.
    src0 = edge_index[0]
    dst0 = edge_index[1]
    loop = jnp.arange(N, dtype=src0.dtype)
    src = jnp.concatenate([src0, loop])
    dst = jnp.concatenate([dst0, loop])
    # symmetric GCN normalization with self-loops
    deg = jax.ops.segment_sum(jnp.ones_like(src, dtype=x.dtype), dst, num_segments=N)
    dinv = jnp.where(deg > 0, deg ** -0.5, 0.0)
    norm = dinv[src] * dinv[dst]

    def gcn_conv(h, W, b):
        h = h @ W
        msg = h[src] * norm[:, None]
        agg = jax.ops.segment_sum(msg, dst, num_segments=N)
        return agg + b

    h = jax.nn.relu(gcn_conv(x, W1, b1))
    h = gcn_conv(h, W2, b2)  # last layer: no activation (out_channels=None, jk=None)

    # global mean pool per graph
    counts = jax.ops.segment_sum(jnp.ones((N,), dtype=x.dtype), batch, num_segments=B)
    pooled = jax.ops.segment_sum(h, batch, num_segments=B) / jnp.maximum(counts, 1.0)[:, None]

    # classifier: Linear(hidden_channels, 1)
    out = pooled @ Wc + bc
    return out

if __name__ == "__main__":
    import jax
    _d = setup_inputs()
    print(jax.jit(kernel)(*tuple(_d.values())))

</pallas_src>

<mosaic_0001>
#map = affine_map<(d0, d1) -> (0, 0)>
#map1 = affine_map<(d0, d1) -> (0)>
module attributes {stable_mosaic.version = 14 : i64} {
  func.func @k(%arg0: i32, %arg1: i32, %arg2: memref<10240x128xf32, #tpu.memory_space<hbm>>, %arg3: memref<320000xi32, #tpu.memory_space<hbm>>, %arg4: memref<320000xi32, #tpu.memory_space<hbm>>, %arg5: memref<10240x128xf32, #tpu.memory_space<hbm>>, %arg6: memref<10240x128xf32, #tpu.memory_space<hbm>>, %arg7: memref<10240x128xf32, #tpu.memory_space<hbm>>, %arg8: memref<10240x128xf32, #tpu.memory_space<vmem_shared>>, %arg9: memref<80xi32, #tpu.memory_space<vmem>>, %arg10: memref<80xi32, #tpu.memory_space<vmem>>, %arg11: memref<80x128xf32, #tpu.memory_space<vmem>>, %arg12: memref<!tpu.dma_semaphore, #tpu.memory_space<semaphore_mem>>) attributes {dimension_semantics = [#tpu.dimension_semantics<core_parallel>, #tpu.dimension_semantics<subcore_parallel>], iteration_bounds = array<i64: 2, 16>, scalar_prefetch = 0 : i64, scratch_operands = 5 : i64, tpu.core_type = #tpu.core_type<sc_vector_subcore>, window_params = [{transform_indices = #map}, {transform_indices = #map1}, {transform_indices = #map1}, {transform_indices = #map}, {transform_indices = #map}, {transform_indices = #map}]} {
    %mul3A = arith.constant 2 : i32
    %mul3A_0 = arith.muli %arg1, %mul3A : i32
    %add3A = arith.addi %mul3A_0, %arg0 : i32
    %mul3A_1 = arith.constant 640 : i32
    %mul3A_2 = arith.muli %arg1, %mul3A_1 : i32
    %mul3A_3 = arith.constant 640 : i32
    %mul3A_4 = arith.muli %arg1, %mul3A_3 : i32
    "tpu.region"() ({
      %run_scoped3A = tpu.sem_alloc : memref<!tpu.dma_semaphore, #tpu.memory_space<semaphore_mem>>
      %dma_start3A = arith.constant 0 : i32
      %dma_start3A_20 = tpu.memref_slice %arg8[%mul3A_4, %dma_start3A] : memref<10240x128xf32, #tpu.memory_space<vmem_shared>> -> memref<640x128xf32, #tpu.memory_space<vmem_shared>>
      %dma_start3A_21 = arith.constant 0 : i32
      %dma_start3A_22 = tpu.memref_slice %arg5[%mul3A_2, %dma_start3A_21] : memref<10240x128xf32, #tpu.memory_space<hbm>> -> memref<640x128xf32, #tpu.memory_space<hbm>>
      tpu.enqueue_dma source(%dma_start3A_22 : memref<640x128xf32, #tpu.memory_space<hbm>>) target(%dma_start3A_20 : memref<640x128xf32, #tpu.memory_space<vmem_shared>>) target_semaphore(%run_scoped3A : memref<!tpu.dma_semaphore, #tpu.memory_space<semaphore_mem>>)
      %dma_wait3A = arith.constant 0 : i32
      %dma_wait3A_23 = tpu.memref_slice %arg8[%mul3A_4, %dma_wait3A] : memref<10240x128xf32, #tpu.memory_space<vmem_shared>> -> memref<640x128xf32, #tpu.memory_space<vmem_shared>>
      %dma_wait3A_24 = arith.constant 0 : i32
      %dma_wait3A_25 = tpu.memref_slice %arg5[%mul3A_2, %dma_wait3A_24] : memref<10240x128xf32, #tpu.memory_space<hbm>> -> memref<640x128xf32, #tpu.memory_space<hbm>>
      tpu.wait_dma2 semaphore(%run_scoped3A : memref<!tpu.dma_semaphore, #tpu.memory_space<semaphore_mem>>) src(%dma_wait3A_25 : memref<640x128xf32, #tpu.memory_space<hbm>>) dst(%dma_wait3A_23 : memref<640x128xf32, #tpu.memory_space<vmem_shared>>)
      tpu.yield
    }) : () -> ()
    %barrier3A = arith.constant 0 : index
    tpu.barrier barrier_id(%barrier3A)
    %mul3A_5 = arith.constant 10000 : i32
    %mul3A_6 = arith.muli %add3A, %mul3A_5 : i32
    %scan3A = arith.constant 0 : i32
    %scan3A_7 = arith.constant 0 : i32
    %scan3A_8 = arith.constant 125 : i32
    %scan3A_9 = arith.addi %scan3A_7, %scan3A_8 : i32
    %scan3A_10 = arith.constant 1 : i32
    scf.for %scan3A_20 = %scan3A_7 to %scan3A_9 step %scan3A_10  : i32 {
      %mul3A_21 = arith.constant 80 : i32
      %mul3A_22 = arith.muli %scan3A_20, %mul3A_21 : i32
      %add3A_23 = arith.addi %mul3A_6, %mul3A_22 : i32
      "tpu.region"() ({
        %run_scoped3A = tpu.sem_alloc : memref<!tpu.dma_semaphore, #tpu.memory_space<semaphore_mem>>
        %dma_start3A_28 = tpu.memref_slice %arg3[%add3A_23] : memref<320000xi32, #tpu.memory_space<hbm>> -> memref<80xi32, #tpu.memory_space<hbm>>
        %dma_start3A_29 = tpu.memref_slice %arg3[%add3A_23] : memref<320000xi32, #tpu.memory_space<hbm>> -> memref<80xi32, #tpu.memory_space<hbm>>
        tpu.enqueue_dma source(%dma_start3A_29 : memref<80xi32, #tpu.memory_space<hbm>>) target(%arg9 : memref<80xi32, #tpu.memory_space<vmem>>) target_semaphore(%run_scoped3A : memref<!tpu.dma_semaphore, #tpu.memory_space<semaphore_mem>>)
        %dma_wait3A_30 = tpu.memref_slice %arg3[%add3A_23] : memref<320000xi32, #tpu.memory_space<hbm>> -> memref<80xi32, #tpu.memory_space<hbm>>
        %dma_wait3A_31 = tpu.memref_slice %arg3[%add3A_23] : memref<320000xi32, #tpu.memory_space<hbm>> -> memref<80xi32, #tpu.memory_space<hbm>>
        tpu.wait_dma2 semaphore(%run_scoped3A : memref<!tpu.dma_semaphore, #tpu.memory_space<semaphore_mem>>) src(%dma_wait3A_31 : memref<80xi32, #tpu.memory_space<hbm>>) dst(%arg9 : memref<80xi32, #tpu.memory_space<vmem>>)
        tpu.yield
      }) : () -> ()
      "tpu.region"() ({
        %run_scoped3A = tpu.sem_alloc : memref<!tpu.dma_semaphore, #tpu.memory_space<semaphore_mem>>
        %dma_start3A_28 = tpu.memref_slice %arg4[%add3A_23] : memref<320000xi32, #tpu.memory_space<hbm>> -> memref<80xi32, #tpu.memory_space<hbm>>
        %dma_start3A_29 = tpu.memref_slice %arg4[%add3A_23] : memref<320000xi32, #tpu.memory_space<hbm>> -> memref<80xi32, #tpu.memory_space<hbm>>
        tpu.enqueue_dma source(%dma_start3A_29 : memref<80xi32, #tpu.memory_space<hbm>>) target(%arg10 : memref<80xi32, #tpu.memory_space<vmem>>) target_semaphore(%run_scoped3A : memref<!tpu.dma_semaphore, #tpu.memory_space<semaphore_mem>>)
        %dma_wait3A_30 = tpu.memref_slice %arg4[%add3A_23] : memref<320000xi32, #tpu.memory_space<hbm>> -> memref<80xi32, #tpu.memory_space<hbm>>
        %dma_wait3A_31 = tpu.memref_slice %arg4[%add3A_23] : memref<320000xi32, #tpu.memory_space<hbm>> -> memref<80xi32, #tpu.memory_space<hbm>>
        tpu.wait_dma2 semaphore(%run_scoped3A : memref<!tpu.dma_semaphore, #tpu.memory_space<semaphore_mem>>) src(%dma_wait3A_31 : memref<80xi32, #tpu.memory_space<hbm>>) dst(%arg10 : memref<80xi32, #tpu.memory_space<vmem>>)
        tpu.yield
      }) : () -> ()
      %dma_start3A = arith.constant 0 : i32
      %dma_start3A_24 = arith.constant 0 : i32
      %dma_start3A_25 = tpu.memref_slice %arg2[%dma_start3A, %dma_start3A_24] : memref<10240x128xf32, #tpu.memory_space<hbm>> -> memref<10240x128xf32, #tpu.memory_space<hbm>>
      tpu.enqueue_indirect_dma source(%dma_start3A_25 : memref<10240x128xf32, #tpu.memory_space<hbm>>) target(%arg11 : memref<80x128xf32, #tpu.memory_space<vmem>>) offsets(%arg9 : memref<80xi32, #tpu.memory_space<vmem>>) semaphore(%arg12 : memref<!tpu.dma_semaphore, #tpu.memory_space<semaphore_mem>>)
      %dma_wait3A = arith.constant 0 : i32
      %dma_wait3A_26 = arith.constant 0 : i32
      %dma_wait3A_27 = tpu.memref_slice %arg2[%dma_wait3A, %dma_wait3A_26] : memref<10240x128xf32, #tpu.memory_space<hbm>> -> memref<10240x128xf32, #tpu.memory_space<hbm>>
      tpu.wait_indirect_dma semaphore(%arg12 : memref<!tpu.dma_semaphore, #tpu.memory_space<semaphore_mem>>) src(%dma_wait3A_27 : memref<10240x128xf32, #tpu.memory_space<hbm>>) dst(%arg11 : memref<80x128xf32, #tpu.memory_space<vmem>>)
      "tpu.region"() ({
        %run_scoped3A = tpu.sem_alloc : memref<!tpu.dma_semaphore, #tpu.memory_space<semaphore_mem>>
        %dma_start3A_28 = arith.constant 0 : i32
        %dma_start3A_29 = arith.constant 0 : i32
        %dma_start3A_30 = tpu.memref_slice %arg8[%dma_start3A_28, %dma_start3A_29] : memref<10240x128xf32, #tpu.memory_space<vmem_shared>> -> memref<10240x128xf32, #tpu.memory_space<vmem_shared>>
        tpu.enqueue_indirect_dma source(%arg11 : memref<80x128xf32, #tpu.memory_space<vmem>>) target(%dma_start3A_30 : memref<10240x128xf32, #tpu.memory_space<vmem_shared>>) offsets(%arg10 : memref<80xi32, #tpu.memory_space<vmem>>) semaphore(%run_scoped3A : memref<!tpu.dma_semaphore, #tpu.memory_space<semaphore_mem>>) {add = true}
        %dma_wait3A_31 = arith.constant 0 : i32
        %dma_wait3A_32 = arith.constant 0 : i32
        %dma_wait3A_33 = tpu.memref_slice %arg8[%dma_wait3A_31, %dma_wait3A_32] : memref<10240x128xf32, #tpu.memory_space<vmem_shared>> -> memref<10240x128xf32, #tpu.memory_space<vmem_shared>>
        tpu.wait_indirect_dma semaphore(%run_scoped3A : memref<!tpu.dma_semaphore, #tpu.memory_space<semaphore_mem>>) src(%arg11 : memref<80x128xf32, #tpu.memory_space<vmem>>) dst(%dma_wait3A_33 : memref<10240x128xf32, #tpu.memory_space<vmem_shared>>)
        tpu.yield
      }) : () -> ()
    }
    %scan3A_11 = arith.constant 125 : i32
    %barrier3A_12 = arith.constant 0 : index
    tpu.barrier barrier_id(%barrier3A_12)
    %eq3A = arith.constant 0 : i32
    %eq3A_13 = arith.cmpi eq, %arg0, %eq3A : i32
    %convert_element_type3A = arith.extui %eq3A_13 : i1 to i32
    %cond3A = arith.constant 0 : i32
    %cond3A_14 = arith.cmpi ne, %convert_element_type3A, %cond3A : i32
    scf.if %cond3A_14 {
      %mul3A_20 = arith.constant 640 : i32
      %mul3A_21 = arith.muli %arg1, %mul3A_20 : i32
      %mul3A_22 = arith.constant 640 : i32
      %mul3A_23 = arith.muli %arg1, %mul3A_22 : i32
      "tpu.region"() ({
        %run_scoped3A = tpu.sem_alloc : memref<!tpu.dma_semaphore, #tpu.memory_space<semaphore_mem>>
        %dma_start3A = arith.constant 0 : i32
        %dma_start3A_24 = tpu.memref_slice %arg6[%mul3A_23, %dma_start3A] : memref<10240x128xf32, #tpu.memory_space<hbm>> -> memref<640x128xf32, #tpu.memory_space<hbm>>
        %dma_start3A_25 = arith.constant 0 : i32
        %dma_start3A_26 = tpu.memref_slice %arg8[%mul3A_21, %dma_start3A_25] : memref<10240x128xf32, #tpu.memory_space<vmem_shared>> -> memref<640x128xf32, #tpu.memory_space<vmem_shared>>
        tpu.enqueue_dma source(%dma_start3A_26 : memref<640x128xf32, #tpu.memory_space<vmem_shared>>) target(%dma_start3A_24 : memref<640x128xf32, #tpu.memory_space<hbm>>) target_semaphore(%run_scoped3A : memref<!tpu.dma_semaphore, #tpu.memory_space<semaphore_mem>>)
        %dma_wait3A = arith.constant 0 : i32
        %dma_wait3A_27 = tpu.memref_slice %arg6[%mul3A_23, %dma_wait3A] : memref<10240x128xf32, #tpu.memory_space<hbm>> -> memref<640x128xf32, #tpu.memory_space<hbm>>
        %dma_wait3A_28 = arith.constant 0 : i32
        %dma_wait3A_29 = tpu.memref_slice %arg8[%mul3A_21, %dma_wait3A_28] : memref<10240x128xf32, #tpu.memory_space<vmem_shared>> -> memref<640x128xf32, #tpu.memory_space<vmem_shared>>
        tpu.wait_dma2 semaphore(%run_scoped3A : memref<!tpu.dma_semaphore, #tpu.memory_space<semaphore_mem>>) src(%dma_wait3A_29 : memref<640x128xf32, #tpu.memory_space<vmem_shared>>) dst(%dma_wait3A_27 : memref<640x128xf32, #tpu.memory_space<hbm>>)
        tpu.yield
      }) : () -> ()
    } else {
    }
    %eq3A_15 = arith.constant 1 : i32
    %eq3A_16 = arith.cmpi eq, %arg0, %eq3A_15 : i32
    %convert_element_type3A_17 = arith.extui %eq3A_16 : i1 to i32
    %cond3A_18 = arith.constant 0 : i32
    %cond3A_19 = arith.cmpi ne, %convert_element_type3A_17, %cond3A_18 : i32
    scf.if %cond3A_19 {
      %mul3A_20 = arith.constant 640 : i32
      %mul3A_21 = arith.muli %arg1, %mul3A_20 : i32
      %mul3A_22 = arith.constant 640 : i32
      %mul3A_23 = arith.muli %arg1, %mul3A_22 : i32
      "tpu.region"() ({
        %run_scoped3A = tpu.sem_alloc : memref<!tpu.dma_semaphore, #tpu.memory_space<semaphore_mem>>
        %dma_start3A = arith.constant 0 : i32
        %dma_start3A_24 = tpu.memref_slice %arg7[%mul3A_23, %dma_start3A] : memref<10240x128xf32, #tpu.memory_space<hbm>> -> memref<640x128xf32, #tpu.memory_space<hbm>>
        %dma_start3A_25 = arith.constant 0 : i32
        %dma_start3A_26 = tpu.memref_slice %arg8[%mul3A_21, %dma_start3A_25] : memref<10240x128xf32, #tpu.memory_space<vmem_shared>> -> memref<640x128xf32, #tpu.memory_space<vmem_shared>>
        tpu.enqueue_dma source(%dma_start3A_26 : memref<640x128xf32, #tpu.memory_space<vmem_shared>>) target(%dma_start3A_24 : memref<640x128xf32, #tpu.memory_space<hbm>>) target_semaphore(%run_scoped3A : memref<!tpu.dma_semaphore, #tpu.memory_space<semaphore_mem>>)
        %dma_wait3A = arith.constant 0 : i32
        %dma_wait3A_27 = tpu.memref_slice %arg7[%mul3A_23, %dma_wait3A] : memref<10240x128xf32, #tpu.memory_space<hbm>> -> memref<640x128xf32, #tpu.memory_space<hbm>>
        %dma_wait3A_28 = arith.constant 0 : i32
        %dma_wait3A_29 = tpu.memref_slice %arg8[%mul3A_21, %dma_wait3A_28] : memref<10240x128xf32, #tpu.memory_space<vmem_shared>> -> memref<640x128xf32, #tpu.memory_space<vmem_shared>>
        tpu.wait_dma2 semaphore(%run_scoped3A : memref<!tpu.dma_semaphore, #tpu.memory_space<semaphore_mem>>) src(%dma_wait3A_29 : memref<640x128xf32, #tpu.memory_space<vmem_shared>>) dst(%dma_wait3A_27 : memref<640x128xf32, #tpu.memory_space<hbm>>)
        tpu.yield
      }) : () -> ()
    } else {
    }
    return
  }
}

#map = affine_map<(d0, d1) -> (0)>
module attributes {stable_mosaic.version = 14 : i64} {
  func.func @k(%arg0: i32, %arg1: i32, %arg2: memref<320000xi32, #tpu.memory_space<hbm>>, %arg3: memref<10240xf32, #tpu.memory_space<hbm>>, %arg4: memref<10240xf32, #tpu.memory_space<hbm>>, %arg5: memref<10240xf32, #tpu.memory_space<hbm>>, %arg6: memref<10240xf32, #tpu.memory_space<vmem_shared>>, %arg7: memref<80xi32, #tpu.memory_space<vmem>>, %arg8: memref<80xf32, #tpu.memory_space<vmem>>) attributes {dimension_semantics = [#tpu.dimension_semantics<core_parallel>, #tpu.dimension_semantics<subcore_parallel>], iteration_bounds = array<i64: 2, 16>, scalar_prefetch = 0 : i64, scratch_operands = 3 : i64, tpu.core_type = #tpu.core_type<sc_vector_subcore>, window_params = [{transform_indices = #map}, {transform_indices = #map}, {transform_indices = #map}, {transform_indices = #map}]} {
    %mul3A = arith.constant 2 : i32
    %mul3A_0 = arith.muli %arg1, %mul3A : i32
    %add3A = arith.addi %mul3A_0, %arg0 : i32
    %broadcast_in_dim3A = arith.constant 1.000000e+00 : f32
    %broadcast_in_dim3A_1 = vector.broadcast %broadcast_in_dim3A : f32 to vector<16xf32>
    %swap3A = arith.constant 0 : index
    %swap3A_2 = tpu.vector_load %arg8[%swap3A] {strides = array<i32>} : memref<80xf32, #tpu.memory_space<vmem>>, vector<16xf32>,
    %swap3A_3 = vector.shape_cast %swap3A_2 : vector<16xf32> to vector<16xf32>
    %swap3A_4 = vector.shape_cast %broadcast_in_dim3A_1 : vector<16xf32> to vector<16xf32>
    tpu.vector_store %arg8[%swap3A], %swap3A_4 {strides = array<i32>} : memref<80xf32, #tpu.memory_space<vmem>>, vector<16xf32>,
    %broadcast_in_dim3A_5 = arith.constant 1.000000e+00 : f32
    %broadcast_in_dim3A_6 = vector.broadcast %broadcast_in_dim3A_5 : f32 to vector<16xf32>
    %swap3A_7 = arith.constant 16 : index
    %swap3A_8 = tpu.vector_load %arg8[%swap3A_7] {strides = array<i32>} : memref<80xf32, #tpu.memory_space<vmem>>, vector<16xf32>,
    %swap3A_9 = vector.shape_cast %swap3A_8 : vector<16xf32> to vector<16xf32>
    %swap3A_10 = vector.shape_cast %broadcast_in_dim3A_6 : vector<16xf32> to vector<16xf32>
    tpu.vector_store %arg8[%swap3A_7], %swap3A_10 {strides = array<i32>} : memref<80xf32, #tpu.memory_space<vmem>>, vector<16xf32>,
    %broadcast_in_dim3A_11 = arith.constant 1.000000e+00 : f32
    %broadcast_in_dim3A_12 = vector.broadcast %broadcast_in_dim3A_11 : f32 to vector<16xf32>
    %swap3A_13 = arith.constant 32 : index
    %swap3A_14 = tpu.vector_load %arg8[%swap3A_13] {strides = array<i32>} : memref<80xf32, #tpu.memory_space<vmem>>, vector<16xf32>,
    %swap3A_15 = vector.shape_cast %swap3A_14 : vector<16xf32> to vector<16xf32>
    %swap3A_16 = vector.shape_cast %broadcast_in_dim3A_12 : vector<16xf32> to vector<16xf32>
    tpu.vector_store %arg8[%swap3A_13], %swap3A_16 {strides = array<i32>} : memref<80xf32, #tpu.memory_space<vmem>>, vector<16xf32>,
    %broadcast_in_dim3A_17 = arith.constant 1.000000e+00 : f32
    %broadcast_in_dim3A_18 = vector.broadcast %broadcast_in_dim3A_17 : f32 to vector<16xf32>
    %swap3A_19 = arith.constant 48 : index
    %swap3A_20 = tpu.vector_load %arg8[%swap3A_19] {strides = array<i32>} : memref<80xf32, #tpu.memory_space<vmem>>, vector<16xf32>,
    %swap3A_21 = vector.shape_cast %swap3A_20 : vector<16xf32> to vector<16xf32>
    %swap3A_22 = vector.shape_cast %broadcast_in_dim3A_18 : vector<16xf32> to vector<16xf32>
    tpu.vector_store %arg8[%swap3A_19], %swap3A_22 {strides = array<i32>} : memref<80xf32, #tpu.memory_space<vmem>>, vector<16xf32>,
    %broadcast_in_dim3A_23 = arith.constant 1.000000e+00 : f32
    %broadcast_in_dim3A_24 = vector.broadcast %broadcast_in_dim3A_23 : f32 to vector<16xf32>
    %swap3A_25 = arith.constant 64 : index
    %swap3A_26 = tpu.vector_load %arg8[%swap3A_25] {strides = array<i32>} : memref<80xf32, #tpu.memory_space<vmem>>, vector<16xf32>,
    %swap3A_27 = vector.shape_cast %swap3A_26 : vector<16xf32> to vector<16xf32>
    %swap3A_28 = vector.shape_cast %broadcast_in_dim3A_24 : vector<16xf32> to vector<16xf32>
    tpu.vector_store %arg8[%swap3A_25], %swap3A_28 {strides = array<i32>} : memref<80xf32, #tpu.memory_space<vmem>>, vector<16xf32>,
    %mul3A_29 = arith.constant 640 : i32
    %mul3A_30 = arith.muli %arg1, %mul3A_29 : i32
    %mul3A_31 = arith.constant 640 : i32
    %mul3A_32 = arith.muli %arg1, %mul3A_31 : i32
    "tpu.region"() ({
      %run_scoped3A = tpu.sem_alloc : memref<!tpu.dma_semaphore, #tpu.memory_space<semaphore_mem>>
      %dma_start3A = tpu.memref_slice %arg6[%mul3A_32] : memref<10240xf32, #tpu.memory_space<vmem_shared>> -> memref<640xf32, #tpu.memory_space<vmem_shared>>
      %dma_start3A_48 = tpu.memref_slice %arg3[%mul3A_30] : memref<10240xf32, #tpu.memory_space<hbm>> -> memref<640xf32, #tpu.memory_space<hbm>>
      tpu.enqueue_dma source(%dma_start3A_48 : memref<640xf32, #tpu.memory_space<hbm>>) target(%dma_start3A : memref<640xf32, #tpu.memory_space<vmem_shared>>) target_semaphore(%run_scoped3A : memref<!tpu.dma_semaphore, #tpu.memory_space<semaphore_mem>>)
      %dma_wait3A = tpu.memref_slice %arg6[%mul3A_32] : memref<10240xf32, #tpu.memory_space<vmem_shared>> -> memref<640xf32, #tpu.memory_space<vmem_shared>>
      %dma_wait3A_49 = tpu.memref_slice %arg3[%mul3A_30] : memref<10240xf32, #tpu.memory_space<hbm>> -> memref<640xf32, #tpu.memory_space<hbm>>
      tpu.wait_dma2 semaphore(%run_scoped3A : memref<!tpu.dma_semaphore, #tpu.memory_space<semaphore_mem>>) src(%dma_wait3A_49 : memref<640xf32, #tpu.memory_space<hbm>>) dst(%dma_wait3A : memref<640xf32, #tpu.memory_space<vmem_shared>>)
      tpu.yield
    }) : () -> ()
    %barrier3A = arith.constant 0 : index
    tpu.barrier barrier_id(%barrier3A)
    %mul3A_33 = arith.constant 10000 : i32
    %mul3A_34 = arith.muli %add3A, %mul3A_33 : i32
    %scan3A = arith.constant 0 : i32
    %scan3A_35 = arith.constant 0 : i32
    %scan3A_36 = arith.constant 125 : i32
    %scan3A_37 = arith.addi %scan3A_35, %scan3A_36 : i32
    %scan3A_38 = arith.constant 1 : i32
    scf.for %scan3A_48 = %scan3A_35 to %scan3A_37 step %scan3A_38  : i32 {
      %mul3A_49 = arith.constant 80 : i32
      %mul3A_50 = arith.muli %scan3A_48, %mul3A_49 : i32
      %add3A_51 = arith.addi %mul3A_34, %mul3A_50 : i32
      "tpu.region"() ({
        %run_scoped3A = tpu.sem_alloc : memref<!tpu.dma_semaphore, #tpu.memory_space<semaphore_mem>>
        %dma_start3A = tpu.memref_slice %arg2[%add3A_51] : memref<320000xi32, #tpu.memory_space<hbm>> -> memref<80xi32, #tpu.memory_space<hbm>>
        %dma_start3A_52 = tpu.memref_slice %arg2[%add3A_51] : memref<320000xi32, #tpu.memory_space<hbm>> -> memref<80xi32, #tpu.memory_space<hbm>>
        tpu.enqueue_dma source(%dma_start3A_52 : memref<80xi32, #tpu.memory_space<hbm>>) target(%arg7 : memref<80xi32, #tpu.memory_space<vmem>>) target_semaphore(%run_scoped3A : memref<!tpu.dma_semaphore, #tpu.memory_space<semaphore_mem>>)
        %dma_wait3A = tpu.memref_slice %arg2[%add3A_51] : memref<320000xi32, #tpu.memory_space<hbm>> -> memref<80xi32, #tpu.memory_space<hbm>>
        %dma_wait3A_53 = tpu.memref_slice %arg2[%add3A_51] : memref<320000xi32, #tpu.memory_space<hbm>> -> memref<80xi32, #tpu.memory_space<hbm>>
        tpu.wait_dma2 semaphore(%run_scoped3A : memref<!tpu.dma_semaphore, #tpu.memory_space<semaphore_mem>>) src(%dma_wait3A_53 : memref<80xi32, #tpu.memory_space<hbm>>) dst(%arg7 : memref<80xi32, #tpu.memory_space<vmem>>)
        tpu.yield
      }) : () -> ()
      "tpu.region"() ({
        %run_scoped3A = tpu.sem_alloc : memref<!tpu.dma_semaphore, #tpu.memory_space<semaphore_mem>>
        %dma_start3A = arith.constant 0 : i32
        %dma_start3A_52 = tpu.memref_slice %arg6[%dma_start3A] : memref<10240xf32, #tpu.memory_space<vmem_shared>> -> memref<10240xf32, #tpu.memory_space<vmem_shared>>
        tpu.enqueue_indirect_dma source(%arg8 : memref<80xf32, #tpu.memory_space<vmem>>) target(%dma_start3A_52 : memref<10240xf32, #tpu.memory_space<vmem_shared>>) offsets(%arg7 : memref<80xi32, #tpu.memory_space<vmem>>) semaphore(%run_scoped3A : memref<!tpu.dma_semaphore, #tpu.memory_space<semaphore_mem>>) {add = true}
        %dma_wait3A = arith.constant 0 : i32
        %dma_wait3A_53 = tpu.memref_slice %arg6[%dma_wait3A] : memref<10240xf32, #tpu.memory_space<vmem_shared>> -> memref<10240xf32, #tpu.memory_space<vmem_shared>>
        tpu.wait_indirect_dma semaphore(%run_scoped3A : memref<!tpu.dma_semaphore, #tpu.memory_space<semaphore_mem>>) src(%arg8 : memref<80xf32, #tpu.memory_space<vmem>>) dst(%dma_wait3A_53 : memref<10240xf32, #tpu.memory_space<vmem_shared>>)
        tpu.yield
      }) : () -> ()
    }
    %scan3A_39 = arith.constant 125 : i32
    %barrier3A_40 = arith.constant 0 : index
    tpu.barrier barrier_id(%barrier3A_40)
    %eq3A = arith.constant 0 : i32
    %eq3A_41 = arith.cmpi eq, %arg0, %eq3A : i32
    %convert_element_type3A = arith.extui %eq3A_41 : i1 to i32
    %cond3A = arith.constant 0 : i32
    %cond3A_42 = arith.cmpi ne, %convert_element_type3A, %cond3A : i32
    scf.if %cond3A_42 {
      %mul3A_48 = arith.constant 640 : i32
      %mul3A_49 = arith.muli %arg1, %mul3A_48 : i32
      %mul3A_50 = arith.constant 640 : i32
      %mul3A_51 = arith.muli %arg1, %mul3A_50 : i32
      "tpu.region"() ({
        %run_scoped3A = tpu.sem_alloc : memref<!tpu.dma_semaphore, #tpu.memory_space<semaphore_mem>>
        %dma_start3A = tpu.memref_slice %arg4[%mul3A_51] : memref<10240xf32, #tpu.memory_space<hbm>> -> memref<640xf32, #tpu.memory_space<hbm>>
        %dma_start3A_52 = tpu.memref_slice %arg6[%mul3A_49] : memref<10240xf32, #tpu.memory_space<vmem_shared>> -> memref<640xf32, #tpu.memory_space<vmem_shared>>
        tpu.enqueue_dma source(%dma_start3A_52 : memref<640xf32, #tpu.memory_space<vmem_shared>>) target(%dma_start3A : memref<640xf32, #tpu.memory_space<hbm>>) target_semaphore(%run_scoped3A : memref<!tpu.dma_semaphore, #tpu.memory_space<semaphore_mem>>)
        %dma_wait3A = tpu.memref_slice %arg4[%mul3A_51] : memref<10240xf32, #tpu.memory_space<hbm>> -> memref<640xf32, #tpu.memory_space<hbm>>
        %dma_wait3A_53 = tpu.memref_slice %arg6[%mul3A_49] : memref<10240xf32, #tpu.memory_space<vmem_shared>> -> memref<640xf32, #tpu.memory_space<vmem_shared>>
        tpu.wait_dma2 semaphore(%run_scoped3A : memref<!tpu.dma_semaphore, #tpu.memory_space<semaphore_mem>>) src(%dma_wait3A_53 : memref<640xf32, #tpu.memory_space<vmem_shared>>) dst(%dma_wait3A : memref<640xf32, #tpu.memory_space<hbm>>)
        tpu.yield
      }) : () -> ()
    } else {
    }
    %eq3A_43 = arith.constant 1 : i32
    %eq3A_44 = arith.cmpi eq, %arg0, %eq3A_43 : i32
    %convert_element_type3A_45 = arith.extui %eq3A_44 : i1 to i32
    %cond3A_46 = arith.constant 0 : i32
    %cond3A_47 = arith.cmpi ne, %convert_element_type3A_45, %cond3A_46 : i32
    scf.if %cond3A_47 {
      %mul3A_48 = arith.constant 640 : i32
      %mul3A_49 = arith.muli %arg1, %mul3A_48 : i32
      %mul3A_50 = arith.constant 640 : i32
      %mul3A_51 = arith.muli %arg1, %mul3A_50 : i32
      "tpu.region"() ({
        %run_scoped3A = tpu.sem_alloc : memref<!tpu.dma_semaphore, #tpu.memory_space<semaphore_mem>>
        %dma_start3A = tpu.memref_slice %arg5[%mul3A_51] : memref<10240xf32, #tpu.memory_space<hbm>> -> memref<640xf32, #tpu.memory_space<hbm>>
        %dma_start3A_52 = tpu.memref_slice %arg6[%mul3A_49] : memref<10240xf32, #tpu.memory_space<vmem_shared>> -> memref<640xf32, #tpu.memory_space<vmem_shared>>
        tpu.enqueue_dma source(%dma_start3A_52 : memref<640xf32, #tpu.memory_space<vmem_shared>>) target(%dma_start3A : memref<640xf32, #tpu.memory_space<hbm>>) target_semaphore(%run_scoped3A : memref<!tpu.dma_semaphore, #tpu.memory_space<semaphore_mem>>)
        %dma_wait3A = tpu.memref_slice %arg5[%mul3A_51] : memref<10240xf32, #tpu.memory_space<hbm>> -> memref<640xf32, #tpu.memory_space<hbm>>
        %dma_wait3A_53 = tpu.memref_slice %arg6[%mul3A_49] : memref<10240xf32, #tpu.memory_space<vmem_shared>> -> memref<640xf32, #tpu.memory_space<vmem_shared>>
        tpu.wait_dma2 semaphore(%run_scoped3A : memref<!tpu.dma_semaphore, #tpu.memory_space<semaphore_mem>>) src(%dma_wait3A_53 : memref<640xf32, #tpu.memory_space<vmem_shared>>) dst(%dma_wait3A : memref<640xf32, #tpu.memory_space<hbm>>)
        tpu.yield
      }) : () -> ()
    } else {
    }
    return
  }
}

#map = affine_map<(d0, d1) -> (0, 0)>
#map1 = affine_map<(d0, d1) -> (0)>
module attributes {stable_mosaic.version = 14 : i64} {
  func.func @k(%arg0: i32, %arg1: i32, %arg2: memref<10240x128xf32, #tpu.memory_space<hbm>>, %arg3: memref<320000xi32, #tpu.memory_space<hbm>>, %arg4: memref<320000xi32, #tpu.memory_space<hbm>>, %arg5: memref<10240x128xf32, #tpu.memory_space<hbm>>, %arg6: memref<10240x128xf32, #tpu.memory_space<hbm>>, %arg7: memref<10240x128xf32, #tpu.memory_space<hbm>>, %arg8: memref<10240x128xf32, #tpu.memory_space<vmem_shared>>, %arg9: memref<80xi32, #tpu.memory_space<vmem>>, %arg10: memref<80xi32, #tpu.memory_space<vmem>>, %arg11: memref<80x128xf32, #tpu.memory_space<vmem>>, %arg12: memref<!tpu.dma_semaphore, #tpu.memory_space<semaphore_mem>>) attributes {dimension_semantics = [#tpu.dimension_semantics<core_parallel>, #tpu.dimension_semantics<subcore_parallel>], iteration_bounds = array<i64: 2, 16>, scalar_prefetch = 0 : i64, scratch_operands = 5 : i64, tpu.core_type = #tpu.core_type<sc_vector_subcore>, window_params = [{transform_indices = #map}, {transform_indices = #map1}, {transform_indices = #map1}, {transform_indices = #map}, {transform_indices = #map}, {transform_indices = #map}]} {
    %mul3A = arith.constant 2 : i32
    %mul3A_0 = arith.muli %arg1, %mul3A : i32
    %add3A = arith.addi %mul3A_0, %arg0 : i32
    %mul3A_1 = arith.constant 640 : i32
    %mul3A_2 = arith.muli %arg1, %mul3A_1 : i32
    %mul3A_3 = arith.constant 640 : i32
    %mul3A_4 = arith.muli %arg1, %mul3A_3 : i32
    "tpu.region"() ({
      %run_scoped3A = tpu.sem_alloc : memref<!tpu.dma_semaphore, #tpu.memory_space<semaphore_mem>>
      %dma_start3A = arith.constant 0 : i32
      %dma_start3A_20 = tpu.memref_slice %arg8[%mul3A_4, %dma_start3A] : memref<10240x128xf32, #tpu.memory_space<vmem_shared>> -> memref<640x128xf32, #tpu.memory_space<vmem_shared>>
      %dma_start3A_21 = arith.constant 0 : i32
      %dma_start3A_22 = tpu.memref_slice %arg5[%mul3A_2, %dma_start3A_21] : memref<10240x128xf32, #tpu.memory_space<hbm>> -> memref<640x128xf32, #tpu.memory_space<hbm>>
      tpu.enqueue_dma source(%dma_start3A_22 : memref<640x128xf32, #tpu.memory_space<hbm>>) target(%dma_start3A_20 : memref<640x128xf32, #tpu.memory_space<vmem_shared>>) target_semaphore(%run_scoped3A : memref<!tpu.dma_semaphore, #tpu.memory_space<semaphore_mem>>)
      %dma_wait3A = arith.constant 0 : i32
      %dma_wait3A_23 = tpu.memref_slice %arg8[%mul3A_4, %dma_wait3A] : memref<10240x128xf32, #tpu.memory_space<vmem_shared>> -> memref<640x128xf32, #tpu.memory_space<vmem_shared>>
      %dma_wait3A_24 = arith.constant 0 : i32
      %dma_wait3A_25 = tpu.memref_slice %arg5[%mul3A_2, %dma_wait3A_24] : memref<10240x128xf32, #tpu.memory_space<hbm>> -> memref<640x128xf32, #tpu.memory_space<hbm>>
      tpu.wait_dma2 semaphore(%run_scoped3A : memref<!tpu.dma_semaphore, #tpu.memory_space<semaphore_mem>>) src(%dma_wait3A_25 : memref<640x128xf32, #tpu.memory_space<hbm>>) dst(%dma_wait3A_23 : memref<640x128xf32, #tpu.memory_space<vmem_shared>>)
      tpu.yield
    }) : () -> ()
    %barrier3A = arith.constant 0 : index
    tpu.barrier barrier_id(%barrier3A)
    %mul3A_5 = arith.constant 10000 : i32
    %mul3A_6 = arith.muli %add3A, %mul3A_5 : i32
    %scan3A = arith.constant 0 : i32
    %scan3A_7 = arith.constant 0 : i32
    %scan3A_8 = arith.constant 125 : i32
    %scan3A_9 = arith.addi %scan3A_7, %scan3A_8 : i32
    %scan3A_10 = arith.constant 1 : i32
    scf.for %scan3A_20 = %scan3A_7 to %scan3A_9 step %scan3A_10  : i32 {
      %mul3A_21 = arith.constant 80 : i32
      %mul3A_22 = arith.muli %scan3A_20, %mul3A_21 : i32
      %add3A_23 = arith.addi %mul3A_6, %mul3A_22 : i32
      "tpu.region"() ({
        %run_scoped3A = tpu.sem_alloc : memref<!tpu.dma_semaphore, #tpu.memory_space<semaphore_mem>>
        %dma_start3A_28 = tpu.memref_slice %arg3[%add3A_23] : memref<320000xi32, #tpu.memory_space<hbm>> -> memref<80xi32, #tpu.memory_space<hbm>>
        %dma_start3A_29 = tpu.memref_slice %arg3[%add3A_23] : memref<320000xi32, #tpu.memory_space<hbm>> -> memref<80xi32, #tpu.memory_space<hbm>>
        tpu.enqueue_dma source(%dma_start3A_29 : memref<80xi32, #tpu.memory_space<hbm>>) target(%arg9 : memref<80xi32, #tpu.memory_space<vmem>>) target_semaphore(%run_scoped3A : memref<!tpu.dma_semaphore, #tpu.memory_space<semaphore_mem>>)
        %dma_wait3A_30 = tpu.memref_slice %arg3[%add3A_23] : memref<320000xi32, #tpu.memory_space<hbm>> -> memref<80xi32, #tpu.memory_space<hbm>>
        %dma_wait3A_31 = tpu.memref_slice %arg3[%add3A_23] : memref<320000xi32, #tpu.memory_space<hbm>> -> memref<80xi32, #tpu.memory_space<hbm>>
        tpu.wait_dma2 semaphore(%run_scoped3A : memref<!tpu.dma_semaphore, #tpu.memory_space<semaphore_mem>>) src(%dma_wait3A_31 : memref<80xi32, #tpu.memory_space<hbm>>) dst(%arg9 : memref<80xi32, #tpu.memory_space<vmem>>)
        tpu.yield
      }) : () -> ()
      "tpu.region"() ({
        %run_scoped3A = tpu.sem_alloc : memref<!tpu.dma_semaphore, #tpu.memory_space<semaphore_mem>>
        %dma_start3A_28 = tpu.memref_slice %arg4[%add3A_23] : memref<320000xi32, #tpu.memory_space<hbm>> -> memref<80xi32, #tpu.memory_space<hbm>>
        %dma_start3A_29 = tpu.memref_slice %arg4[%add3A_23] : memref<320000xi32, #tpu.memory_space<hbm>> -> memref<80xi32, #tpu.memory_space<hbm>>
        tpu.enqueue_dma source(%dma_start3A_29 : memref<80xi32, #tpu.memory_space<hbm>>) target(%arg10 : memref<80xi32, #tpu.memory_space<vmem>>) target_semaphore(%run_scoped3A : memref<!tpu.dma_semaphore, #tpu.memory_space<semaphore_mem>>)
        %dma_wait3A_30 = tpu.memref_slice %arg4[%add3A_23] : memref<320000xi32, #tpu.memory_space<hbm>> -> memref<80xi32, #tpu.memory_space<hbm>>
        %dma_wait3A_31 = tpu.memref_slice %arg4[%add3A_23] : memref<320000xi32, #tpu.memory_space<hbm>> -> memref<80xi32, #tpu.memory_space<hbm>>
        tpu.wait_dma2 semaphore(%run_scoped3A : memref<!tpu.dma_semaphore, #tpu.memory_space<semaphore_mem>>) src(%dma_wait3A_31 : memref<80xi32, #tpu.memory_space<hbm>>) dst(%arg10 : memref<80xi32, #tpu.memory_space<vmem>>)
        tpu.yield
      }) : () -> ()
      %dma_start3A = arith.constant 0 : i32
      %dma_start3A_24 = arith.constant 0 : i32
      %dma_start3A_25 = tpu.memref_slice %arg2[%dma_start3A, %dma_start3A_24] : memref<10240x128xf32, #tpu.memory_space<hbm>> -> memref<10240x128xf32, #tpu.memory_space<hbm>>
      tpu.enqueue_indirect_dma source(%dma_start3A_25 : memref<10240x128xf32, #tpu.memory_space<hbm>>) target(%arg11 : memref<80x128xf32, #tpu.memory_space<vmem>>) offsets(%arg9 : memref<80xi32, #tpu.memory_space<vmem>>) semaphore(%arg12 : memref<!tpu.dma_semaphore, #tpu.memory_space<semaphore_mem>>)
      %dma_wait3A = arith.constant 0 : i32
      %dma_wait3A_26 = arith.constant 0 : i32
      %dma_wait3A_27 = tpu.memref_slice %arg2[%dma_wait3A, %dma_wait3A_26] : memref<10240x128xf32, #tpu.memory_space<hbm>> -> memref<10240x128xf32, #tpu.memory_space<hbm>>
      tpu.wait_indirect_dma semaphore(%arg12 : memref<!tpu.dma_semaphore, #tpu.memory_space<semaphore_mem>>) src(%dma_wait3A_27 : memref<10240x128xf32, #tpu.memory_space<hbm>>) dst(%arg11 : memref<80x128xf32, #tpu.memory_space<vmem>>)
      "tpu.region"() ({
        %run_scoped3A = tpu.sem_alloc : memref<!tpu.dma_semaphore, #tpu.memory_space<semaphore_mem>>
        %dma_start3A_28 = arith.constant 0 : i32
        %dma_start3A_29 = arith.constant 0 : i32
        %dma_start3A_30 = tpu.memref_slice %arg8[%dma_start3A_28, %dma_start3A_29] : memref<10240x128xf32, #tpu.memory_space<vmem_shared>> -> memref<10240x128xf32, #tpu.memory_space<vmem_shared>>
        tpu.enqueue_indirect_dma source(%arg11 : memref<80x128xf32, #tpu.memory_space<vmem>>) target(%dma_start3A_30 : memref<10240x128xf32, #tpu.memory_space<vmem_shared>>) offsets(%arg10 : memref<80xi32, #tpu.memory_space<vmem>>) semaphore(%run_scoped3A : memref<!tpu.dma_semaphore, #tpu.memory_space<semaphore_mem>>) {add = true}
        %dma_wait3A_31 = arith.constant 0 : i32
        %dma_wait3A_32 = arith.constant 0 : i32
        %dma_wait3A_33 = tpu.memref_slice %arg8[%dma_wait3A_31, %dma_wait3A_32] : memref<10240x128xf32, #tpu.memory_space<vmem_shared>> -> memref<10240x128xf32, #tpu.memory_space<vmem_shared>>
        tpu.wait_indirect_dma semaphore(%run_scoped3A : memref<!tpu.dma_semaphore, #tpu.memory_space<semaphore_mem>>) src(%arg11 : memref<80x128xf32, #tpu.memory_space<vmem>>) dst(%dma_wait3A_33 : memref<10240x128xf32, #tpu.memory_space<vmem_shared>>)
        tpu.yield
      }) : () -> ()
    }
    %scan3A_11 = arith.constant 125 : i32
    %barrier3A_12 = arith.constant 0 : index
    tpu.barrier barrier_id(%barrier3A_12)
    %eq3A = arith.constant 0 : i32
    %eq3A_13 = arith.cmpi eq, %arg0, %eq3A : i32
    %convert_element_type3A = arith.extui %eq3A_13 : i1 to i32
    %cond3A = arith.constant 0 : i32
    %cond3A_14 = arith.cmpi ne, %convert_element_type3A, %cond3A : i32
    scf.if %cond3A_14 {
      %mul3A_20 = arith.constant 640 : i32
      %mul3A_21 = arith.muli %arg1, %mul3A_20 : i32
      %mul3A_22 = arith.constant 640 : i32
      %mul3A_23 = arith.muli %arg1, %mul3A_22 : i32
      "tpu.region"() ({
        %run_scoped3A = tpu.sem_alloc : memref<!tpu.dma_semaphore, #tpu.memory_space<semaphore_mem>>
        %dma_start3A = arith.constant 0 : i32
        %dma_start3A_24 = tpu.memref_slice %arg6[%mul3A_23, %dma_start3A] : memref<10240x128xf32, #tpu.memory_space<hbm>> -> memref<640x128xf32, #tpu.memory_space<hbm>>
        %dma_start3A_25 = arith.constant 0 : i32
        %dma_start3A_26 = tpu.memref_slice %arg8[%mul3A_21, %dma_start3A_25] : memref<10240x128xf32, #tpu.memory_space<vmem_shared>> -> memref<640x128xf32, #tpu.memory_space<vmem_shared>>
        tpu.enqueue_dma source(%dma_start3A_26 : memref<640x128xf32, #tpu.memory_space<vmem_shared>>) target(%dma_start3A_24 : memref<640x128xf32, #tpu.memory_space<hbm>>) target_semaphore(%run_scoped3A : memref<!tpu.dma_semaphore, #tpu.memory_space<semaphore_mem>>)
        %dma_wait3A = arith.constant 0 : i32
        %dma_wait3A_27 = tpu.memref_slice %arg6[%mul3A_23, %dma_wait3A] : memref<10240x128xf32, #tpu.memory_space<hbm>> -> memref<640x128xf32, #tpu.memory_space<hbm>>
        %dma_wait3A_28 = arith.constant 0 : i32
        %dma_wait3A_29 = tpu.memref_slice %arg8[%mul3A_21, %dma_wait3A_28] : memref<10240x128xf32, #tpu.memory_space<vmem_shared>> -> memref<640x128xf32, #tpu.memory_space<vmem_shared>>
        tpu.wait_dma2 semaphore(%run_scoped3A : memref<!tpu.dma_semaphore, #tpu.memory_space<semaphore_mem>>) src(%dma_wait3A_29 : memref<640x128xf32, #tpu.memory_space<vmem_shared>>) dst(%dma_wait3A_27 : memref<640x128xf32, #tpu.memory_space<hbm>>)
        tpu.yield
      }) : () -> ()
    } else {
    }
    %eq3A_15 = arith.constant 1 : i32
    %eq3A_16 = arith.cmpi eq, %arg0, %eq3A_15 : i32
    %convert_element_type3A_17 = arith.extui %eq3A_16 : i1 to i32
    %cond3A_18 = arith.constant 0 : i32
    %cond3A_19 = arith.cmpi ne, %convert_element_type3A_17, %cond3A_18 : i32
    scf.if %cond3A_19 {
      %mul3A_20 = arith.constant 640 : i32
      %mul3A_21 = arith.muli %arg1, %mul3A_20 : i32
      %mul3A_22 = arith.constant 640 : i32
      %mul3A_23 = arith.muli %arg1, %mul3A_22 : i32
      "tpu.region"() ({
        %run_scoped3A = tpu.sem_alloc : memref<!tpu.dma_semaphore, #tpu.memory_space<semaphore_mem>>
        %dma_start3A = arith.constant 0 : i32
        %dma_start3A_24 = tpu.memref_slice %arg7[%mul3A_23, %dma_start3A] : memref<10240x128xf32, #tpu.memory_space<hbm>> -> memref<640x128xf32, #tpu.memory_space<hbm>>
        %dma_start3A_25 = arith.constant 0 : i32
        %dma_start3A_26 = tpu.memref_slice %arg8[%mul3A_21, %dma_start3A_25] : memref<10240x128xf32, #tpu.memory_space<vmem_shared>> -> memref<640x128xf32, #tpu.memory_space<vmem_shared>>
        tpu.enqueue_dma source(%dma_start3A_26 : memref<640x128xf32, #tpu.memory_space<vmem_shared>>) target(%dma_start3A_24 : memref<640x128xf32, #tpu.memory_space<hbm>>) target_semaphore(%run_scoped3A : memref<!tpu.dma_semaphore, #tpu.memory_space<semaphore_mem>>)
        %dma_wait3A = arith.constant 0 : i32
        %dma_wait3A_27 = tpu.memref_slice %arg7[%mul3A_23, %dma_wait3A] : memref<10240x128xf32, #tpu.memory_space<hbm>> -> memref<640x128xf32, #tpu.memory_space<hbm>>
        %dma_wait3A_28 = arith.constant 0 : i32
        %dma_wait3A_29 = tpu.memref_slice %arg8[%mul3A_21, %dma_wait3A_28] : memref<10240x128xf32, #tpu.memory_space<vmem_shared>> -> memref<640x128xf32, #tpu.memory_space<vmem_shared>>
        tpu.wait_dma2 semaphore(%run_scoped3A : memref<!tpu.dma_semaphore, #tpu.memory_space<semaphore_mem>>) src(%dma_wait3A_29 : memref<640x128xf32, #tpu.memory_space<vmem_shared>>) dst(%dma_wait3A_27 : memref<640x128xf32, #tpu.memory_space<hbm>>)
        tpu.yield
      }) : () -> ()
    } else {
    }
    return
  }
}

module attributes {stable_mosaic.version = 14 : i64} {
  func.func @body(%arg0: i32, %arg1: memref<2048x2xf32, #tpu.memory_space<vmem>>, %arg2: memref<2048x128xf32, #tpu.memory_space<vmem>>, %arg3: memref<128x128xf32, #tpu.memory_space<vmem>>, %arg4: memref<2048x128xf32, #tpu.memory_space<vmem>>, %arg5: memref<2048x1xf32, #tpu.memory_space<vmem>>) attributes {dimension_semantics = [#tpu.dimension_semantics<arbitrary>], iteration_bounds = array<i64: 5>, scalar_prefetch = 0 : i64, scratch_operands = 0 : i64, tpu.core_type = #tpu.core_type<tc>, window_params = [{transform_indices = @transform_0, window_bounds = array<i64: 2048, 2>}, {transform_indices = @transform_1, window_bounds = array<i64: 2048, 128>}, {pipeline_mode = #tpu.pipeline_mode<synchronous>, transform_indices = @transform_2, window_bounds = array<i64: 128, 128>}, {transform_indices = @transform_3, window_bounds = array<i64: 2048, 128>}, {transform_indices = @transform_4, window_bounds = array<i64: 2048, 1>}]} {
    %get3A = arith.constant 0 : index
    %get3A_0 = arith.constant 0 : index
    %get3A_1 = vector.load %arg1[%get3A, %get3A_0] : memref<2048x2xf32, #tpu.memory_space<vmem>>, vector<2048x1xf32>
    %get3A_2 = arith.constant 0 : index
    %get3A_3 = arith.constant 1 : index
    %get3A_4 = vector.load %arg1[%get3A_2, %get3A_3] : memref<2048x2xf32, #tpu.memory_space<vmem>>, vector<2048x1xf32>
    %add3A = arith.addf %get3A_1, %get3A_4 : vector<2048x1xf32>
    %add3A_5 = arith.constant 1.000000e+00 : f32
    %add3A_6 = vector.broadcast %add3A_5 : f32 to vector<2048x1xf32>
    %add3A_7 = arith.addf %add3A, %add3A_6 : vector<2048x1xf32>
    %rsqrt3A = math.rsqrt %add3A_7 : vector<2048x1xf32>
    %get3A_8 = arith.constant 0 : index
    %get3A_9 = arith.constant 0 : index
    %get3A_10 = vector.load %arg2[%get3A_8, %get3A_9] : memref<2048x128xf32, #tpu.memory_space<vmem>>, vector<2048x128xf32>
    %get3A_11 = arith.constant 0 : index
    %get3A_12 = arith.constant 0 : index
    %get3A_13 = vector.load %arg3[%get3A_11, %get3A_12] : memref<128x128xf32, #tpu.memory_space<vmem>>, vector<128x128xf32>
    %dot_general3A = arith.constant dense<0.000000e+00> : vector<2048x128xf32>
    %dot_general3A_14 = tpu.matmul %get3A_10, %get3A_13, %dot_general3A {dimension_numbers = #tpu.dot_dimension_numbers<[1], [0], [0], [1], [0, 0, 1, 1], [], []>, transpose_lhs_hint = false} : vector<2048x128xf32>, vector<128x128xf32>, vector<2048x128xf32> -> vector<2048x128xf32>
    %mul3A = vector.broadcast %rsqrt3A : vector<2048x1xf32> to vector<2048x128xf32>
    %mul3A_15 = arith.mulf %dot_general3A_14, %mul3A : vector<2048x128xf32>
    %swap3A = arith.constant 0 : index
    %swap3A_16 = arith.constant 0 : index
    %swap3A_17 = vector.load %arg4[%swap3A, %swap3A_16] : memref<2048x128xf32, #tpu.memory_space<vmem>>, vector<2048x128xf32>
    tpu.vector_store %arg4[%swap3A, %swap3A_16], %mul3A_15 {strides = array<i32>} : memref<2048x128xf32, #tpu.memory_space<vmem>>, vector<2048x128xf32>,
    %swap3A_18 = arith.constant 0 : index
    %swap3A_19 = arith.constant 0 : index
    %swap3A_20 = vector.load %arg5[%swap3A_18, %swap3A_19] : memref<2048x1xf32, #tpu.memory_space<vmem>>, vector<2048x1xf32>
    tpu.vector_store %arg5[%swap3A_18, %swap3A_19], %rsqrt3A {strides = array<i32>} : memref<2048x1xf32, #tpu.memory_space<vmem>>, vector<2048x1xf32>,
    return
  }
  func.func @transform_0(%arg0: i32) -> (i32, i32) {
    %c0_i32 = arith.constant 0 : i32
    %c0_i32_0 = arith.constant 0 : i32
    return %arg0, %c0_i32 : i32, i32
  }
  func.func @transform_1(%arg0: i32) -> (i32, i32) {
    %c0_i32 = arith.constant 0 : i32
    %c0_i32_0 = arith.constant 0 : i32
    return %arg0, %c0_i32 : i32, i32
  }
  func.func @transform_2(%arg0: i32) -> (i32, i32) {
    %c0_i32 = arith.constant 0 : i32
    %c0_i32_0 = arith.constant 0 : i32
    %c0_i32_1 = arith.constant 0 : i32
    return %c0_i32, %c0_i32_0 : i32, i32
  }
  func.func @transform_3(%arg0: i32) -> (i32, i32) {
    %c0_i32 = arith.constant 0 : i32
    %c0_i32_0 = arith.constant 0 : i32
    return %arg0, %c0_i32 : i32, i32
  }
  func.func @transform_4(%arg0: i32) -> (i32, i32) {
    %c0_i32 = arith.constant 0 : i32
    %c0_i32_0 = arith.constant 0 : i32
    return %arg0, %c0_i32 : i32, i32
  }
}

module attributes {stable_mosaic.version = 14 : i64} {
  func.func @body(%arg0: i32, %arg1: memref<2048x128xf32, #tpu.memory_space<vmem>>, %arg2: memref<2048x128xf32, #tpu.memory_space<vmem>>, %arg3: memref<2048x128xf32, #tpu.memory_space<vmem>>, %arg4: memref<2048x1xf32, #tpu.memory_space<vmem>>, %arg5: memref<1x128xf32, #tpu.memory_space<vmem>>, %arg6: memref<128x128xf32, #tpu.memory_space<vmem>>, %arg7: memref<2048x128xf32, #tpu.memory_space<vmem>>) attributes {dimension_semantics = [#tpu.dimension_semantics<arbitrary>], iteration_bounds = array<i64: 5>, scalar_prefetch = 0 : i64, scratch_operands = 0 : i64, tpu.core_type = #tpu.core_type<tc>, window_params = [{transform_indices = @transform_0, window_bounds = array<i64: 2048, 128>}, {transform_indices = @transform_1, window_bounds = array<i64: 2048, 128>}, {transform_indices = @transform_2, window_bounds = array<i64: 2048, 128>}, {transform_indices = @transform_3, window_bounds = array<i64: 2048, 1>}, {pipeline_mode = #tpu.pipeline_mode<synchronous>, transform_indices = @transform_4, window_bounds = array<i64: 1, 128>}, {pipeline_mode = #tpu.pipeline_mode<synchronous>, transform_indices = @transform_5, window_bounds = array<i64: 128, 128>}, {transform_indices = @transform_6, window_bounds = array<i64: 2048, 128>}]} {
    %get3A = arith.constant 0 : index
    %get3A_0 = arith.constant 0 : index
    %get3A_1 = vector.load %arg4[%get3A, %get3A_0] : memref<2048x1xf32, #tpu.memory_space<vmem>>, vector<2048x1xf32>
    %get3A_2 = arith.constant 0 : index
    %get3A_3 = arith.constant 0 : index
    %get3A_4 = vector.load %arg1[%get3A_2, %get3A_3] : memref<2048x128xf32, #tpu.memory_space<vmem>>, vector<2048x128xf32>
    %get3A_5 = arith.constant 0 : index
    %get3A_6 = arith.constant 0 : index
    %get3A_7 = vector.load %arg2[%get3A_5, %get3A_6] : memref<2048x128xf32, #tpu.memory_space<vmem>>, vector<2048x128xf32>
    %add3A = arith.addf %get3A_4, %get3A_7 : vector<2048x128xf32>
    %get3A_8 = arith.constant 0 : index
    %get3A_9 = arith.constant 0 : index
    %get3A_10 = vector.load %arg3[%get3A_8, %get3A_9] : memref<2048x128xf32, #tpu.memory_space<vmem>>, vector<2048x128xf32>
    %add3A_11 = arith.addf %add3A, %get3A_10 : vector<2048x128xf32>
    %mul3A = vector.broadcast %get3A_1 : vector<2048x1xf32> to vector<2048x128xf32>
    %mul3A_12 = arith.mulf %mul3A, %add3A_11 : vector<2048x128xf32>
    %get3A_13 = arith.constant 0 : index
    %get3A_14 = arith.constant 0 : index
    %get3A_15 = vector.load %arg5[%get3A_13, %get3A_14] : memref<1x128xf32, #tpu.memory_space<vmem>>, vector<1x128xf32>
    %add3A_16 = vector.broadcast %get3A_15 : vector<1x128xf32> to vector<2048x128xf32>
    %add3A_17 = arith.addf %mul3A_12, %add3A_16 : vector<2048x128xf32>
    %max3A = arith.constant 0.000000e+00 : f32
    %max3A_18 = vector.broadcast %max3A : f32 to vector<2048x128xf32>
    %max3A_19 = arith.maximumf %add3A_17, %max3A_18 : vector<2048x128xf32>
    %get3A_20 = arith.constant 0 : index
    %get3A_21 = arith.constant 0 : index
    %get3A_22 = vector.load %arg6[%get3A_20, %get3A_21] : memref<128x128xf32, #tpu.memory_space<vmem>>, vector<128x128xf32>
    %dot_general3A = arith.constant dense<0.000000e+00> : vector<2048x128xf32>
    %dot_general3A_23 = tpu.matmul %max3A_19, %get3A_22, %dot_general3A {dimension_numbers = #tpu.dot_dimension_numbers<[1], [0], [0], [1], [0, 0, 1, 1], [], []>, transpose_lhs_hint = false} : vector<2048x128xf32>, vector<128x128xf32>, vector<2048x128xf32> -> vector<2048x128xf32>
    %mul3A_24 = vector.broadcast %get3A_1 : vector<2048x1xf32> to vector<2048x128xf32>
    %mul3A_25 = arith.mulf %mul3A_24, %dot_general3A_23 : vector<2048x128xf32>
    %swap3A = arith.constant 0 : index
    %swap3A_26 = arith.constant 0 : index
    %swap3A_27 = vector.load %arg7[%swap3A, %swap3A_26] : memref<2048x128xf32, #tpu.memory_space<vmem>>, vector<2048x128xf32>
    tpu.vector_store %arg7[%swap3A, %swap3A_26], %mul3A_25 {strides = array<i32>} : memref<2048x128xf32, #tpu.memory_space<vmem>>, vector<2048x128xf32>,
    return
  }
  func.func @transform_0(%arg0: i32) -> (i32, i32) {
    %c0_i32 = arith.constant 0 : i32
    %c0_i32_0 = arith.constant 0 : i32
    return %arg0, %c0_i32 : i32, i32
  }
  func.func @transform_1(%arg0: i32) -> (i32, i32) {
    %c0_i32 = arith.constant 0 : i32
    %c0_i32_0 = arith.constant 0 : i32
    return %arg0, %c0_i32 : i32, i32
  }
  func.func @transform_2(%arg0: i32) -> (i32, i32) {
    %c0_i32 = arith.constant 0 : i32
    %c0_i32_0 = arith.constant 0 : i32
    return %arg0, %c0_i32 : i32, i32
  }
  func.func @transform_3(%arg0: i32) -> (i32, i32) {
    %c0_i32 = arith.constant 0 : i32
    %c0_i32_0 = arith.constant 0 : i32
    return %arg0, %c0_i32 : i32, i32
  }
  func.func @transform_4(%arg0: i32) -> (i32, i32) {
    %c0_i32 = arith.constant 0 : i32
    %c0_i32_0 = arith.constant 0 : i32
    %c0_i32_1 = arith.constant 0 : i32
    return %c0_i32, %c0_i32_0 : i32, i32
  }
  func.func @transform_5(%arg0: i32) -> (i32, i32) {
    %c0_i32 = arith.constant 0 : i32
    %c0_i32_0 = arith.constant 0 : i32
    %c0_i32_1 = arith.constant 0 : i32
    return %c0_i32, %c0_i32_0 : i32, i32
  }
  func.func @transform_6(%arg0: i32) -> (i32, i32) {
    %c0_i32 = arith.constant 0 : i32
    %c0_i32_0 = arith.constant 0 : i32
    return %arg0, %c0_i32 : i32, i32
  }
}

module attributes {stable_mosaic.version = 14 : i64} {
  func.func @body(%arg0: i32, %arg1: memref<2048x128xf32, #tpu.memory_space<vmem>>, %arg2: memref<2048x128xf32, #tpu.memory_space<vmem>>, %arg3: memref<2048x128xf32, #tpu.memory_space<vmem>>, %arg4: memref<2048x1xf32, #tpu.memory_space<vmem>>, %arg5: memref<1x128xf32, #tpu.memory_space<vmem>>, %arg6: memref<2048x1xi32, #tpu.memory_space<vmem>>, %arg7: memref<128x1xf32, #tpu.memory_space<vmem>>, %arg8: memref<1x1xf32, #tpu.memory_space<vmem>>, %arg9: memref<64x1xf32, #tpu.memory_space<vmem>>, %arg10: memref<64x128xf32, #tpu.memory_space<vmem>>, %arg11: memref<64x1xf32, #tpu.memory_space<vmem>>) attributes {dimension_semantics = [#tpu.dimension_semantics<arbitrary>], iteration_bounds = array<i64: 5>, scalar_prefetch = 0 : i64, scratch_operands = 2 : i64, tpu.core_type = #tpu.core_type<tc>, window_params = [{transform_indices = @transform_0, window_bounds = array<i64: 2048, 128>}, {transform_indices = @transform_1, window_bounds = array<i64: 2048, 128>}, {transform_indices = @transform_2, window_bounds = array<i64: 2048, 128>}, {transform_indices = @transform_3, window_bounds = array<i64: 2048, 1>}, {pipeline_mode = #tpu.pipeline_mode<synchronous>, transform_indices = @transform_4, window_bounds = array<i64: 1, 128>}, {transform_indices = @transform_5, window_bounds = array<i64: 2048, 1>}, {pipeline_mode = #tpu.pipeline_mode<synchronous>, transform_indices = @transform_6, window_bounds = array<i64: 128, 1>}, {pipeline_mode = #tpu.pipeline_mode<synchronous>, transform_indices = @transform_7, window_bounds = array<i64: 1, 1>}, {pipeline_mode = #tpu.pipeline_mode<synchronous>, transform_indices = @transform_8, window_bounds = array<i64: 64, 1>}]} {
    %eq3A = arith.constant 0 : i32
    %eq3A_0 = arith.cmpi eq, %arg0, %eq3A : i32
    %convert_element_type3A = arith.extui %eq3A_0 : i1 to i32
    %cond3A = arith.constant 0 : i32
    %cond3A_1 = arith.cmpi ne, %convert_element_type3A, %cond3A : i32
    scf.if %cond3A_1 {
      %broadcast_in_dim3A_49 = arith.constant 0.000000e+00 : f32
      %broadcast_in_dim3A_50 = vector.broadcast %broadcast_in_dim3A_49 : f32 to vector<64x128xf32>
      %swap3A_51 = arith.constant 0 : index
      %swap3A_52 = arith.constant 0 : index
      %swap3A_53 = vector.load %arg10[%swap3A_51, %swap3A_52] : memref<64x128xf32, #tpu.memory_space<vmem>>, vector<64x128xf32>
      tpu.vector_store %arg10[%swap3A_51, %swap3A_52], %broadcast_in_dim3A_50 {strides = array<i32>} : memref<64x128xf32, #tpu.memory_space<vmem>>, vector<64x128xf32>,
      %broadcast_in_dim3A_54 = arith.constant 0.000000e+00 : f32
      %broadcast_in_dim3A_55 = vector.broadcast %broadcast_in_dim3A_54 : f32 to vector<64x1xf32>
      %swap3A_56 = arith.constant 0 : index
      %swap3A_57 = arith.constant 0 : index
      %swap3A_58 = vector.load %arg11[%swap3A_56, %swap3A_57] : memref<64x1xf32, #tpu.memory_space<vmem>>, vector<64x1xf32>
      tpu.vector_store %arg11[%swap3A_56, %swap3A_57], %broadcast_in_dim3A_55 {strides = array<i32>} : memref<64x1xf32, #tpu.memory_space<vmem>>, vector<64x1xf32>,
    } else {
    }
    %get3A = arith.constant 0 : index
    %get3A_2 = arith.constant 0 : index
    %get3A_3 = vector.load %arg4[%get3A, %get3A_2] : memref<2048x1xf32, #tpu.memory_space<vmem>>, vector<2048x1xf32>
    %get3A_4 = arith.constant 0 : index
    %get3A_5 = arith.constant 0 : index
    %get3A_6 = vector.load %arg1[%get3A_4, %get3A_5] : memref<2048x128xf32, #tpu.memory_space<vmem>>, vector<2048x128xf32>
    %get3A_7 = arith.constant 0 : index
    %get3A_8 = arith.constant 0 : index
    %get3A_9 = vector.load %arg2[%get3A_7, %get3A_8] : memref<2048x128xf32, #tpu.memory_space<vmem>>, vector<2048x128xf32>
    %add3A = arith.addf %get3A_6, %get3A_9 : vector<2048x128xf32>
    %get3A_10 = arith.constant 0 : index
    %get3A_11 = arith.constant 0 : index
    %get3A_12 = vector.load %arg3[%get3A_10, %get3A_11] : memref<2048x128xf32, #tpu.memory_space<vmem>>, vector<2048x128xf32>
    %add3A_13 = arith.addf %add3A, %get3A_12 : vector<2048x128xf32>
    %mul3A = vector.broadcast %get3A_3 : vector<2048x1xf32> to vector<2048x128xf32>
    %mul3A_14 = arith.mulf %mul3A, %add3A_13 : vector<2048x128xf32>
    %get3A_15 = arith.constant 0 : index
    %get3A_16 = arith.constant 0 : index
    %get3A_17 = vector.load %arg5[%get3A_15, %get3A_16] : memref<1x128xf32, #tpu.memory_space<vmem>>, vector<1x128xf32>
    %add3A_18 = vector.broadcast %get3A_17 : vector<1x128xf32> to vector<2048x128xf32>
    %add3A_19 = arith.addf %mul3A_14, %add3A_18 : vector<2048x128xf32>
    %get3A_20 = arith.constant 0 : index
    %get3A_21 = arith.constant 0 : index
    %get3A_22 = vector.load %arg6[%get3A_20, %get3A_21] : memref<2048x1xi32, #tpu.memory_space<vmem>>, vector<2048x1xi32>
    %iota3A = tpu.iota {dimensions = array<i32: 1>} : vector<2048x64xi32>
    %eq3A_23 = vector.broadcast %get3A_22 : vector<2048x1xi32> to vector<2048x64xi32>
    %eq3A_24 = arith.cmpi eq, %eq3A_23, %iota3A : vector<2048x64xi32>
    %convert_element_type3A_25 = arith.extui %eq3A_24 : vector<2048x64xi1> to vector<2048x64xi32>
    %convert_element_type3A_26 = arith.sitofp %convert_element_type3A_25 : vector<2048x64xi32> to vector<2048x64xf32>
    %get3A_27 = arith.constant 0 : index
    %get3A_28 = arith.constant 0 : index
    %get3A_29 = vector.load %arg10[%get3A_27, %get3A_28] : memref<64x128xf32, #tpu.memory_space<vmem>>, vector<64x128xf32>
    %dot_general3A = arith.constant dense<0.000000e+00> : vector<64x128xf32>
    %dot_general3A_30 = tpu.matmul %convert_element_type3A_26, %add3A_19, %dot_general3A {dimension_numbers = #tpu.dot_dimension_numbers<[0], [0], [1], [1], [0, 1, 1, 1], [], []>, transpose_lhs_hint = false} : vector<2048x64xf32>, vector<2048x128xf32>, vector<64x128xf32> -> vector<64x128xf32>
    %add3A_31 = arith.addf %get3A_29, %dot_general3A_30 : vector<64x128xf32>
    %swap3A = arith.constant 0 : index
    %swap3A_32 = arith.constant 0 : index
    %swap3A_33 = vector.load %arg10[%swap3A, %swap3A_32] : memref<64x128xf32, #tpu.memory_space<vmem>>, vector<64x128xf32>
    tpu.vector_store %arg10[%swap3A, %swap3A_32], %add3A_31 {strides = array<i32>} : memref<64x128xf32, #tpu.memory_space<vmem>>, vector<64x128xf32>,
    %get3A_34 = arith.constant 0 : index
    %get3A_35 = arith.constant 0 : index
    %get3A_36 = vector.load %arg11[%get3A_34, %get3A_35] : memref<64x1xf32, #tpu.memory_space<vmem>>, vector<64x1xf32>
    %broadcast_in_dim3A = arith.constant 1.000000e+00 : f32
    %broadcast_in_dim3A_37 = vector.broadcast %broadcast_in_dim3A : f32 to vector<2048x1xf32>
    %dot_general3A_38 = arith.constant dense<0.000000e+00> : vector<64x1xf32>
    %dot_general3A_39 = tpu.matmul %convert_element_type3A_26, %broadcast_in_dim3A_37, %dot_general3A_38 {dimension_numbers = #tpu.dot_dimension_numbers<[0], [0], [1], [1], [0, 1, 1, 1], [], []>, transpose_lhs_hint = false} : vector<2048x64xf32>, vector<2048x1xf32>, vector<64x1xf32> -> vector<64x1xf32>
    %add3A_40 = arith.addf %get3A_36, %dot_general3A_39 : vector<64x1xf32>
    %swap3A_41 = arith.constant 0 : index
    %swap3A_42 = arith.constant 0 : index
    %swap3A_43 = vector.load %arg11[%swap3A_41, %swap3A_42] : memref<64x1xf32, #tpu.memory_space<vmem>>, vector<64x1xf32>
    tpu.vector_store %arg11[%swap3A_41, %swap3A_42], %add3A_40 {strides = array<i32>} : memref<64x1xf32, #tpu.memory_space<vmem>>, vector<64x1xf32>,
    %eq3A_44 = arith.constant 4 : i32
    %eq3A_45 = arith.cmpi eq, %arg0, %eq3A_44 : i32
    %convert_element_type3A_46 = arith.extui %eq3A_45 : i1 to i32
    %cond3A_47 = arith.constant 0 : i32
    %cond3A_48 = arith.cmpi ne, %convert_element_type3A_46, %cond3A_47 : i32
    scf.if %cond3A_48 {
      %get3A_49 = arith.constant 0 : index
      %get3A_50 = arith.constant 0 : index
      %get3A_51 = vector.load %arg10[%get3A_49, %get3A_50] : memref<64x128xf32, #tpu.memory_space<vmem>>, vector<64x128xf32>
      %get3A_52 = arith.constant 0 : index
      %get3A_53 = arith.constant 0 : index
      %get3A_54 = vector.load %arg11[%get3A_52, %get3A_53] : memref<64x1xf32, #tpu.memory_space<vmem>>, vector<64x1xf32>
      %max3A = arith.constant 1.000000e+00 : f32
      %max3A_55 = vector.broadcast %max3A : f32 to vector<64x1xf32>
      %max3A_56 = arith.maximumf %get3A_54, %max3A_55 : vector<64x1xf32>
      %div3A = vector.broadcast %max3A_56 : vector<64x1xf32> to vector<64x128xf32>
      %div3A_57 = arith.divf %get3A_51, %div3A : vector<64x128xf32>
      %get3A_58 = arith.constant 0 : index
      %get3A_59 = arith.constant 0 : index
      %get3A_60 = vector.load %arg7[%get3A_58, %get3A_59] : memref<128x1xf32, #tpu.memory_space<vmem>>, vector<128x1xf32>
      %dot_general3A_61 = arith.constant dense<0.000000e+00> : vector<64x1xf32>
      %dot_general3A_62 = tpu.matmul %div3A_57, %get3A_60, %dot_general3A_61 {dimension_numbers = #tpu.dot_dimension_numbers<[1], [0], [0], [1], [0, 0, 1, 1], [], []>, transpose_lhs_hint = false} : vector<64x128xf32>, vector<128x1xf32>, vector<64x1xf32> -> vector<64x1xf32>
      %get3A_63 = arith.constant 0 : index
      %get3A_64 = arith.constant 0 : index
      %get3A_65 = vector.load %arg8[%get3A_63, %get3A_64] : memref<1x1xf32, #tpu.memory_space<vmem>>, vector<1x1xf32>
      %add3A_66 = vector.broadcast %get3A_65 : vector<1x1xf32> to vector<64x1xf32>
      %add3A_67 = arith.addf %dot_general3A_62, %add3A_66 : vector<64x1xf32>
      %swap3A_68 = arith.constant 0 : index
      %swap3A_69 = arith.constant 0 : index
      %swap3A_70 = vector.load %arg9[%swap3A_68, %swap3A_69] : memref<64x1xf32, #tpu.memory_space<vmem>>, vector<64x1xf32>
      tpu.vector_store %arg9[%swap3A_68, %swap3A_69], %add3A_67 {strides = array<i32>} : memref<64x1xf32, #tpu.memory_space<vmem>>, vector<64x1xf32>,
    } else {
    }
    return
  }
  func.func @transform_0(%arg0: i32) -> (i32, i32) {
    %c0_i32 = arith.constant 0 : i32
    %c0_i32_0 = arith.constant 0 : i32
    return %arg0, %c0_i32 : i32, i32
  }
  func.func @transform_1(%arg0: i32) -> (i32, i32) {
    %c0_i32 = arith.constant 0 : i32
    %c0_i32_0 = arith.constant 0 : i32
    return %arg0, %c0_i32 : i32, i32
  }
  func.func @transform_2(%arg0: i32) -> (i32, i32) {
    %c0_i32 = arith.constant 0 : i32
    %c0_i32_0 = arith.constant 0 : i32
    return %arg0, %c0_i32 : i32, i32
  }
  func.func @transform_3(%arg0: i32) -> (i32, i32) {
    %c0_i32 = arith.constant 0 : i32
    %c0_i32_0 = arith.constant 0 : i32
    return %arg0, %c0_i32 : i32, i32
  }
  func.func @transform_4(%arg0: i32) -> (i32, i32) {
    %c0_i32 = arith.constant 0 : i32
    %c0_i32_0 = arith.constant 0 : i32
    %c0_i32_1 = arith.constant 0 : i32
    return %c0_i32, %c0_i32_0 : i32, i32
  }
  func.func @transform_5(%arg0: i32) -> (i32, i32) {
    %c0_i32 = arith.constant 0 : i32
    %c0_i32_0 = arith.constant 0 : i32
    return %arg0, %c0_i32 : i32, i32
  }
  func.func @transform_6(%arg0: i32) -> (i32, i32) {
    %c0_i32 = arith.constant 0 : i32
    %c0_i32_0 = arith.constant 0 : i32
    %c0_i32_1 = arith.constant 0 : i32
    return %c0_i32, %c0_i32_0 : i32, i32
  }
  func.func @transform_7(%arg0: i32) -> (i32, i32) {
    %c0_i32 = arith.constant 0 : i32
    %c0_i32_0 = arith.constant 0 : i32
    %c0_i32_1 = arith.constant 0 : i32
    return %c0_i32, %c0_i32_0 : i32, i32
  }
  func.func @transform_8(%arg0: i32) -> (i32, i32) {
    %c0_i32 = arith.constant 0 : i32
    %c0_i32_0 = arith.constant 0 : i32
    %c0_i32_1 = arith.constant 0 : i32
    return %c0_i32, %c0_i32_0 : i32, i32
  }
}

</mosaic_0001>

<sc_bundles>
// kernel: kernel.11.cloned.1.call-start
scs
__scs_entry_jumppad:
0x0: {  	(pc) =	sbr.rel $0x88, $3  }
0x1: {  	(tag) =	ssettag $0x0;
	lr =	simm.s32 $0x1  }
0x2: {  	[smem:$0x3F98] =	sst lr;
	_ =	strace $0xD0000000  }
0x3: {  	_ = 	snop  }
0x4: {  	_ = 	snop  }
0x5: {  	_ = 	snop  }
0x6: {  	_ = 	snop  }
0x7: {  	_ = 	snop  }
__scs_overlays_trampoline_lowered:
0x8: {  	[smem:$0x3FA7] =	sst s0  }
0x9: {  	[smem:$0x3FA8] =	sst s1  }
0xa: {  	[smem:$0x3FA9] =	sst s2  }
0xb: {  	[smem:$0x3FAA] =	sst s3  }
0xc: {  	[smem:$0x3FAB] =	sst s4  }
0xd: {  	[smem:$0x3FAC] =	sst s5  }
0xe: {  	[smem:$0x3FAD] =	sst s6  }
0xf: {  	[smem:$0x3FAE] =	sst s7  }
0x10: {  	[smem:$0x3FAF] =	sst s8  }
0x11: {  	[smem:$0x3FB0] =	sst s9;
	s0 =	simm.s32 @!p0 $0x0  }
0x12: {  	s1 =	sld [smem:$0x3F96];
	s0 =	simm.s32 @p0 $0x1  }
0x13: {  	[smem:$0x3FB1] =	sst s0;
	s0 =	simm.s32 @!p1 $0x0  }
0x14: {  	s2 =	sld [smem:$0x3F95];
	s0 =	simm.s32 @p1 $0x1  }
0x15: {  	[smem:$0x3FB2] =	sst s0;
	s0 =	simm.s32 @!p2 $0x0  }
0x16: {  	s3 =	sld [smem:$0x3FDB];
	s0 =	simm.s32 @p2 $0x1  }
0x17: {  	s4 =	simm.s32 $0x1BF5;
	[smem:$0x3FB4] =	sst s0  }
0x18: {  	s0 =	sld [smem:$0x3F97];
	_ =	swait.ge [sflag:s4], $0x0  }
0x19: {  	s7 =	sld [smem:$0x3F98]  }
0x1a: {  	s8 =	sadd.s32 $0xFFFFE003, lr  }
0x1b: {  	s9 =	sadd.s32 $0xFFFFFEF7, lr;
	s5 =	simm.s32 $0xFFFFFFFF;
	p2 =	slt.u32 s8, $0xFFFFF086  }
0x1c: {  	p1 =	slt.u32 s9, $0xF7A;
	s5 =	simm.s32 @!p2 $0x0  }
0x1d: {  	s5 =	simm.s32 @p1 $0x1;
	p0 =	seq.s32 s7, s2  }
0x1e: {  	s7 =	smul.u32 @!p0 $0xF7A, s2;
	p2 =	seq.s32 @!p0 s5, $0x0  }
0x1f: {  	s9 =	smul.u32 $0xF7A, s1;
	s8 =	simm.s32 @!p0 $0x1BF5;
	p2 =	por !p2, p0  }
0x20: {  	[sflag:s8] =	ssyncset.s32 @!p0 $0xFFFFF086;
	s6 =	sadd.s32 @!p0 s3, s7;
	s7 =	simm.s32 @!p0 $0x108  }
0x21: {  	s3 =	sadd.s32 s3, s9;
	s6 =	sadd.s32 @!p0 $0x88, s6;
	s7 =	simm.s32 @p2 $0x1082  }
0x22: {  	[simem:s7], [sflag:s8] =	dma.local @!p0 [hbm:s6], $0xF7A  }
0x23: {  	s9 =	sor.u32 $0xD0000000, s2;
	s6 =	simm.s32 $0x108;
	_ =	swait.ge @!p0 [sflag:s8], $0x0  }
0x24: {  	s3 =	sadd.s32 $0x88, s3;
	s6 =	simm.s32 @!p1 $0x1082;
	[sflag:s4] =	ssyncset.s32 $0xFFFFF086  }
0x25: {  	[simem:s6], [sflag:s4] =	dma.local [hbm:s3], $0xF7A  }
0x26: {  	[smem:$0x3F98] =	sst s1;
	(tag) =	ssettag s2;
	_ =	strace s9  }
0x27: {  	s1 =	sld [smem:$0x3FA8]  }
0x28: {  	s2 =	sld [smem:$0x3FA9]  }
0x29: {  	s4 =	sld [smem:$0x3FAB]  }
0x2a: {  	p0 =	seq.s32 s5, $0x0;
	s5 =	sld [smem:$0x3FAC]  }
0x2b: {  	s6 =	sld [smem:$0x3FAD]  }
0x2c: {  	s7 =	sld [smem:$0x3FAE]  }
0x2d: {  	s3 =	simm.s32 $0x108;
	s8 =	sld [smem:$0x3FAF]  }
0x2e: {  	s3 =	simm.s32 @!p0 $0x1082;
	s9 =	sld [smem:$0x3FB0]  }
0x2f: {  	lr =	sadd.s32 s0, s3;
	s0 =	sld [smem:$0x3FA7]  }
0x30: {  	s3 =	sld [smem:$0x3FAA]  }
0x31: {  	[smem:$0x3FB3] =	sst s10  }
0x32: {  	s10 =	sld [smem:$0x3FB1];
	_ =	sdelay $0x3  }
0x33: {  	p0 =	seq.s32 s10, $0x1;
	s10 =	sld [smem:$0x3FB3];
	_ =	sdelay $0x3  }
0x34: {  	[smem:$0x3FB3] =	sst s10  }
0x35: {  	s10 =	sld [smem:$0x3FB2];
	_ =	sdelay $0x3  }
0x36: {  	p1 =	seq.s32 s10, $0x1;
	s10 =	sld [smem:$0x3FB3];
	_ =	sdelay $0x3  }
0x37: {  	[smem:$0x3FB3] =	sst s10  }
0x38: {  	s10 =	sld [smem:$0x3FB4]  }
0x39: {  	_ = 	snop;
	(pc) =	sbr.ind lr, $3  }
0x3a: {  	_ = 	snop  }
0x3b: {  	_ = 	snop  }
0x3c: {  	p2 =	seq.s32 s10, $0x1;
	s10 =	sld [smem:$0x3FB3]  }
0x3d: {  	_ =	shalt  }
0x3e: {  	_ =	shalt  }
0x3f: {  	_ =	shalt  }
0x40: {  	_ =	shalt  }
0x41: {  	_ =	shalt  }
0x42: {  	_ =	shalt  }
0x43: {  	_ =	shalt  }
0x44: {  	_ =	shalt  }
0x45: {  	_ =	shalt  }
0x46: {  	_ =	shalt  }
0x47: {  	_ =	shalt  }
0x48: {  	_ =	shalt  }
0x49: {  	_ =	shalt  }
0x4a: {  	_ =	shalt  }
0x4b: {  	_ =	shalt  }
0x4c: {  	_ =	shalt  }
0x4d: {  	_ =	shalt  }
0x4e: {  	_ =	shalt  }
0x4f: {  	_ =	shalt  }
0x50: {  	_ =	shalt  }
0x51: {  	_ =	shalt  }
0x52: {  	_ =	shalt  }
0x53: {  	_ =	shalt  }
0x54: {  	_ =	shalt  }
0x55: {  	_ =	shalt  }
0x56: {  	_ =	shalt  }
0x57: {  	_ =	shalt  }
0x58: {  	_ =	shalt  }
0x59: {  	_ =	shalt  }
0x5a: {  	_ =	shalt  }
0x5b: {  	_ =	shalt  }
0x5c: {  	_ =	shalt  }
0x5d: {  	_ =	shalt  }
0x5e: {  	_ =	shalt  }
0x5f: {  	_ =	shalt  }
0x60: {  	_ =	shalt  }
0x61: {  	_ =	shalt  }
0x62: {  	_ =	shalt  }
0x63: {  	_ =	shalt  }
0x64: {  	_ =	shalt  }
0x65: {  	_ =	shalt  }
0x66: {  	_ =	shalt  }
0x67: {  	_ =	shalt  }
0x68: {  	_ =	shalt  }
0x69: {  	_ =	shalt  }
0x6a: {  	_ =	shalt  }
0x6b: {  	_ =	shalt  }
0x6c: {  	_ =	shalt  }
0x6d: {  	_ =	shalt  }
0x6e: {  	_ =	shalt  }
0x6f: {  	_ =	shalt  }
0x70: {  	_ =	shalt  }
0x71: {  	_ =	shalt  }
0x72: {  	_ =	shalt  }
0x73: {  	_ =	shalt  }
0x74: {  	_ =	shalt  }
0x75: {  	_ =	shalt  }
0x76: {  	_ =	shalt  }
0x77: {  	_ =	shalt  }
0x78: {  	_ =	shalt  }
0x79: {  	_ =	shalt  }
0x7a: {  	_ =	shalt  }
0x7b: {  	_ =	shalt  }
0x7c: {  	_ =	shalt  }
0x7d: {  	_ =	shalt  }
0x7e: {  	_ =	shalt  }
0x7f: {  	_ =	shalt  }
0x80: {  	_ =	shalt  }
0x81: {  	_ =	shalt  }
0x82: {  	_ =	shalt  }
0x83: {  	_ =	shalt  }
0x84: {  	_ =	shalt  }
0x85: {  	_ =	shalt  }
0x86: {  	_ =	shalt  }
0x87: {  	_ =	shalt  }
.Lfunc_end0:
.L_simem_size_0:
called_computation.1_lowered:
.L_overlay_start_0:
0x88: {  	s2 =	sld [smem:$0x3FD9]  }
0x89: {  	s3 =	sld [smem:$0x3FFE];
	_ =	sdelay $0x1  }
0x8a: {  	s1 =	srdreg.scid  }
0x8b: {  	s0 =	sand.u32 $0x1, s1  }
0x8c: {  	s16 =	sshll.u32 s0, $0xA;
	s2 =	sadd.s32 s3, s2  }
0x8d: {  	s2 =	sadd.s32 s2, s16  }
0x8e: {  	[smem:$0x3FBF] =	sst s2  }
0x8f: {  	_ = 	snop  }
0x90: {  	(tm) =	ssettm $0x1  }
0x91: {  	s17 =	sld [smem:$0x3FFB];
	_ =	sdelay $0x3  }
0x92: {  	_ =	strace s17  }
0x93: {  	s2 =	sld [smem:$0x3FFC];
	_ =	sdelay $0x3  }
0x94: {  	_ =	strace s2  }
0x95: {  	s2 =	sld [smem:$0x3FFD];
	_ =	sdelay $0x3  }
0x96: {  	_ =	strace s2  }
0x97: {  	_ =	strace $0x8FFFFFFF  }
0x98: {  	s18 =	sld [smem:$0x3FDB];
	_ =	sdelay $0x1  }
0x99: {  	s19 =	simm.s32 $_scs_section_size  }
0x9a: {  	s4 =	simm.s32 $_size__tile_overlayer_lowered;
	s5 =	simm.s32 $_tile_overlayer_lowered  }
0x9b: {  	s22 =	simm.s32 $0x1BFF;
	s21 =	sshll.u32 s5, $0x1;
	s2 =	sadd.s32 s19, s18  }
0x9c: {  	s6 =	simm.s32 $0x0;
	s20 =	sshll.u32 s4, $0x1;
	s4 =	sadd.s32 s21, s2  }
0x9d: {  	[timem:s6], [sflag:s22] =	dma.local [hbm:s4], s20  }
0x9e: {  	_ =	swait.ge [sflag:s22], s20  }
0x9f: {  	s3 =	ssub.s32 $0x0, s20;
	[sflag:s22] =	ssyncset.done $0x0  }
0xa0: {  	[sflag:s22] =	ssyncadd.s32 s3;
	_ =	sdelay $0x1  }
0xa1: {  	s23 =	simm.s32 $0x1B8B  }
0xa2: {  	_ =	swait.ge [sflag:s23], $0x1  }
0xa3: {  	[sflag:s23] =	ssyncset.done $0x0  }
0xa4: {  	s25 =	simm.s32 $0x1B8E;
	s24 =	sld [smem:$0x3FFE];
	[sflag:s23] =	ssyncadd.s32 $0xFFFFFFFF  }
0xa5: {  	s26 =	simm.s32 $execute0_lowered;
	[smem:$0x3FD2] =	sst s25  }
0xa6: {  	s4 =	sshll.u32 s26, $0x1;
	_ =	strace $0x80000049;
	[dreg:$0x1] =	wrdreg $0xFFFFFFFF  }
0xa7: {  	s28 =	simm.s32 $_size_execute0_lowered;
	s2 =	sadd.s32 s2, s4;
	[dreg:$0x0] =	wrdreg $0x0  }
0xa8: {  	s4 =	sshll.u32 s28, $0x1;
	[dreg:$0x2] =	wrdreg s2  }
0xa9: {  	[dreg:$0x3] =	wrdreg s4  }
0xaa: {  	[dreg:$0x4] =	wrdreg $0xC0  }
0xab: {  	_ =	task [dreg:s6], $0x5FFFF  }
0xac: {  	[dreg:$0x1] =	wrdreg $0xFFFFFFFF  }
0xad: {  	[dreg:$0x0] =	wrdreg $0x60  }
0xae: {  	[dreg:$0x2] =	wrdreg s24  }
0xaf: {  	[dreg:$0x3] =	wrdreg $0x0  }
0xb0: {  	[dreg:$0x4] =	wrdreg $0x9  }
0xb1: {  	_ =	task.clear_ibuf [dreg:s6], $0x5FFFF;
	_ =	strace $0x90000049  }
0xb2: {  	s29 =	simm.s32 $0x9;
	_ =	strace $0x8000004B  }
0xb3: {  	_ =	swait.ge [sflag:s29], $0x1  }
0xb4: {  	[sflag:s29] =	ssyncadd.s32 $0xFFFFFFFF  }
0xb5: {  	_ =	strace $0x9000004B  }
0xb6: {  	_ =	sfence  }
0xb7: {  	s30 =	sld [smem:$0x0];
	_ =	sdelay $0x2  }
0xb8: {  	s31 =	sshll.u32 s1, $0xD;
	s1 =	sshrl.u32 s1, $0x2  }
0xb9: {  	s3 =	sand.u32 $0x4000, s31;
	s1 =	sadd.s32 s1, s30  }
0xba: {  	s0 =	sor.u32 s3, s0;
	s1 =	sshll.u32 s1, $0x11  }
0xbb: {  	s0 =	sor.u32 s1, s0  }
0xbc: {  	s0 =	sadd.s32 $0x8F2B, s0  }
0xbd: {  	[sflag:s0] =	ssyncadd.remote.s32 $0x1  }
0xbe: {  	_ =	sfence.sel $0xFFFF  }
0xbf: {  	[dreg:$0x0] =	wrdreg $0xFFFFFFFF;
	(pc) =	sbr.abs _section_cstart, $3  }
0xc0: {  	[dreg:$0x1] =	wrdreg $0xFFFFFFFF  }
0xc1: {  	_ =	task.clear_ibuf [dreg:s6], $0x2FFFF;
	_ =	strace $0x9FFFFFFF  }
0xc2: {  	(tm) =	ssettm $0x7FFFFFFF  }
0xc3: {  	_ =	shalt  }
tec
execute0_lowered:
.L_overlay_start_1:
0x0: {  	(tag) =	ssettag $0x1  }
0x1: {  	s5 =	rddreg [dreg:$0x0]  }
0x2: {  	s2 =	rddreg [dreg:$0x1]  }
0x3: {  	s0 =	rddreg [dreg:$0x2]  }
0x4: {  	s4 =	srdreg.scid;
	s1 =	stileid.u32  }
0x5: {  	s3 =	simm.s32 $0x0;
	s13 =	simm.s32 $0x14000;
	s14 =	simm.s32 $0x14080  }
0x6: {  	s15 =	simm.s32 $0x50;
	s16 =	simm.s32 $0x14100;
	s7 =	smul.u32 $0x4E20, s1  }
0x7: {  	s17 =	simm.s32 $0x1;
	s18 =	simm.s32 $0x0;
	s29 =	smul.u32 $0x50000, s1  }
0x8: {  	s6 =	sand.u32 $0x1, s4;
	[smem:$0x7FF] =	sst s3;
	s9 =	smul.u32 $0x2800, s1  }
0x9: {  	s4 =	sadd.s32 $0x17C00, s5;
	s31 =	sshll.u32 s1, $0x6;
	s8 =	smul.u32 $0x2710, s6  }
0xa: {  	_ =	strace $0x8000004A;
	s10 =	ssub.s32 $0x2, s6;
	p0 =	seq.s32 s6, $0x1  }
0xb: {  	s6 =	sor.u32 $0x1C02, s31;
	s30 =	sshrl.u32 s10, $0x1;
	s7 =	sadd.s32 s8, s7  }
0xc: {  	s9 =	sadd.s32 s9, s5;
	s8 =	sshrl.u32 s29, $0x2;
	s7 =	sshrl.u32 s7, $0x3  }
0xd: {  	s11 =	sadd.s32 s7, s5;
	s7 =	ssub.s32 s10, s30;
	s10 =	simm.s32 $0xB7C00  }
0xe: {  	s12 =	sadd.s32 s8, s2;
	s5 =	sadd.s32 $0x67C00, s9;
	s10 =	simm.s32 @!p0 $0x8FC00  }
0xf: {  	s7 =	smax.u32 s7, $0x1;
	s8 =	sadd.s32 s10, s9;
	s9 =	sadd.s32 $0xDE00, s11  }
0x10: {  	s10 =	sadd.s32 $0x4000, s11;
	s11 =	sshrl.u32 s12, $0x3;
	s12 =	simm.s32 $0x2  }
.LBB2_1:
0x11: {  	[spmem:s11], [sflag:s6] =	dma.local [hbm:s5], $0x2800  }
0x12: {  	_ =	swait.ge [sflag:s12], $0x2800  }
0x13: {  	[sflag:s12] =	ssyncset.done $0x0  }
0x14: {  	[sflag:s12] =	ssyncadd.s32 $0xFFFFD800  }
0x15: {  	s19 =	sadd.s32 $0x0, s10;
	[bflag:$0x0] =	sbarrier.arrive $0xFFFF  }
0x16: {  	[tilespmem:s13], [sflag:$0x2] =	stream.linear.gather [hbm4b:s19+s3], $0x50, $0x38;
	[tilespmem:$0x16900] =	vst v63  }
0x17: {  	_ =	swait.ge [sflag:s12], $0x50  }
0x18: {  	[sflag:s12] =	ssyncset.done $0x0  }
0x19: {  	s31 =	sadd.s32 $0x0, s9;
	[sflag:s12] =	ssyncadd.s32 $0xFFFFFFB0  }
0x1a: {  	[tilespmem:s14], [sflag:$0x2] =	stream.linear.gather [hbm4b:s31+s3], $0x50, $0x38;
	[tilespmem:$0x16900] =	vst v63  }
0x1b: {  	_ =	swait.ge [sflag:s12], $0x50  }
0x1c: {  	[sflag:s12] =	ssyncset.done $0x0  }
0x1d: {  	[sflag:s12] =	ssyncadd.s32 $0xFFFFFFB0  }
0x1e: {  	[tilespmem:s16], [sflag:$0x1] =	stream.indirect.gather [hbm4b:s4+s15], $0x80, s13, s15, $0xb8;
	[tilespmem:$0x16900] =	vst v63  }
0x1f: {  	_ =	swait.ge [sflag:s17], $0x2800  }
0x20: {  	[sflag:s17] =	ssyncset.done $0x0  }
0x21: {  	[sflag:s17] =	ssyncadd.s32 $0xFFFFD800  }
0x22: {  	[spmem:s2] =	stream.indirect.scatter.add.f32 [tilespmem:s16], [sflag:$0x2], $0x80, s14, s15, $0xb8;
	[tilespmem:$0x16900] =	vst v63  }
0x23: {  	_ =	swait.ge [sflag:s12], $0x2800  }
0x24: {  	s20 =	simm.s32 $0x14;
	s19 =	simm.s32 $0xA;
	[sflag:s12] =	ssyncset.done $0x0  }
.LBB2_2:
0x25: {  	s21 =	sadd.s32 s19, s10  }
0x26: {  	[sflag:s12] =	ssyncadd.s32 $0xFFFFD800;
	s22 =	smov.u32 s20;
	s23 =	sadd.s32 $0xA, s20  }
0x27: {  	[tilespmem:s13], [sflag:$0x2] =	stream.linear.gather [hbm4b:s21+s3], $0x50, $0x38;
	[tilespmem:$0x16900] =	vst v63  }
0x28: {  	p0 =	sne.s32 s20, $0x4D8;
	_ =	swait.ge [sflag:s12], $0x50  }
0x29: {  	[sflag:s12] =	ssyncset.done $0x0  }
0x2a: {  	s20 =	sadd.s32 s19, s9;
	s19 =	smov.u32 s22;
	[sflag:s12] =	ssyncadd.s32 $0xFFFFFFB0  }
0x2b: {  	[tilespmem:s14], [sflag:$0x2] =	stream.linear.gather [hbm4b:s20+s3], $0x50, $0x38;
	[tilespmem:$0x16900] =	vst v63  }
0x2c: {  	_ =	swait.ge [sflag:s12], $0x50  }
0x2d: {  	[sflag:s12] =	ssyncset.done $0x0  }
0x2e: {  	[sflag:s12] =	ssyncadd.s32 $0xFFFFFFB0  }
0x2f: {  	[tilespmem:s16], [sflag:$0x1] =	stream.indirect.gather [hbm4b:s4+s15], $0x80, s13, s15, $0xb8;
	[tilespmem:$0x16900] =	vst v63  }
0x30: {  	_ =	swait.ge [sflag:s17], $0x2800  }
.Ltmp0:
0x31: {  	[sflag:s17] =	ssyncset.done $0x0;
	(pc) =	sbr.rel @p0 .LBB2_2-.Ltmp0, $4  }
0x32: {  	[sflag:s17] =	ssyncadd.s32 $0xFFFFD800  }
0x33: {  	[spmem:s2] =	stream.indirect.scatter.add.f32 [tilespmem:s16], [sflag:$0x2], $0x80, s14, s15, $0xb8;
	[tilespmem:$0x16900] =	vst v63  }
0x34: {  	_ =	swait.ge [sflag:s12], $0x2800  }
0x35: {  	s20 =	smov.u32 s23;
	[sflag:s12] =	ssyncset.done $0x0  }
0x36: {  	s20 =	sadd.s32 s19, s10;
	[sflag:s12] =	ssyncadd.s32 $0xFFFFD800  }
0x37: {  	[tilespmem:s13], [sflag:$0x2] =	stream.linear.gather [hbm4b:s20+s3], $0x50, $0x38;
	[tilespmem:$0x16900] =	vst v63  }
0x38: {  	_ =	swait.ge [sflag:s12], $0x50  }
0x39: {  	[sflag:s12] =	ssyncset.done $0x0  }
0x3a: {  	s31 =	sadd.s32 s19, s9;
	[sflag:s12] =	ssyncadd.s32 $0xFFFFFFB0  }
0x3b: {  	[tilespmem:s14], [sflag:$0x2] =	stream.linear.gather [hbm4b:s31+s3], $0x50, $0x38;
	[tilespmem:$0x16900] =	vst v63  }
0x3c: {  	_ =	swait.ge [sflag:s12], $0x50  }
0x3d: {  	[sflag:s12] =	ssyncset.done $0x0  }
0x3e: {  	[sflag:s12] =	ssyncadd.s32 $0xFFFFFFB0  }
0x3f: {  	[tilespmem:s16], [sflag:$0x1] =	stream.indirect.gather [hbm4b:s4+s15], $0x80, s13, s15, $0xb8;
	[tilespmem:$0x16900] =	vst v63  }
0x40: {  	_ =	swait.ge [sflag:s17], $0x2800  }
0x41: {  	[sflag:s17] =	ssyncset.done $0x0  }
0x42: {  	[sflag:s17] =	ssyncadd.s32 $0xFFFFD800  }
0x43: {  	[spmem:s2] =	stream.indirect.scatter.add.f32 [tilespmem:s16], [sflag:$0x2], $0x80, s14, s15, $0xb8;
	[tilespmem:$0x16900] =	vst v63  }
0x44: {  	_ =	swait.ge [sflag:s12], $0x2800  }
0x45: {  	s18 =	sadd.s32 $0x1, s18;
	[sflag:s12] =	ssyncset.done $0x0  }
0x46: {  	p0 =	sne.s32 s18, s7;
	[sflag:s12] =	ssyncadd.s32 $0xFFFFD800  }
.Ltmp1:
0x47: {  	[bflag:$0x0] =	sbarrier.arrive $0xFFFF;
	(pc) =	sbr.rel @p0 .LBB2_1-.Ltmp1, $4  }
0x48: {  	[hbm:s8], [sflag:s6] =	dma.local [spmem:s11], $0x2800  }
0x49: {  	_ =	swait.ge [sflag:s12], $0x2800  }
0x4a: {  	[sflag:s12] =	ssyncset.done $0x0  }
0x4b: {  	[sflag:s12] =	ssyncadd.s32 $0xFFFFD800  }
0x4c: {  	_ =	sfence.sel $0x180000  }
0x4d: {  	[bflag:$0x0] =	sbarrier.arrive $0xFFFF  }
0x4e: {  	p0 =	sne.s32 s1, $0x0;
	_ =	strace $0x9000004A  }
0x4f: {  	s0 =	sadd.s32 @!p0 $0x100000, s0;
	[bflag:$0x2] =	sbarrier.arrive $0xFFFF  }
0x50: {  	[sflag:s0] =	ssyncadd.tile.s32 @!p0 $0x1;
	_ =	shalt  }
.Lfunc_end2:
_tile_overlayer_lowered:
.L_overlay_start_2:
0x51: {  	(tag) =	ssettag $0x2  }
0x52: {  	s0 =	rddreg [dreg:$0x0];
	s2 =	stileid.u32  }
0x53: {  	s1 =	rddreg [dreg:$0x1];
	p0 =	sne.s32 s2, $0x0  }
0x54: {  	s3 =	rddreg [dreg:$0x2];
	[bflag:$0x3] =	sbarrier.arrive $0xFFFF;
	s2 =	simm.s32 @!p0 $0x1C02  }
0x55: {  	[timem:s3], [sflag:s2] =	dma.local @!p0 [hbm:s0], s1  }
0x56: {  	s0 =	simm.s32 @!p0 $0x2  }
0x57: {  	_ =	swait.ge @!p0 [sflag:s0], s1  }
0x58: {  	s1 =	ssub.s32 @!p0 $0x0, s1;
	[sflag:s0] =	ssyncset.done @!p0 $0x0  }
0x59: {  	[sflag:s0] =	ssyncadd.s32 @!p0 s1  }
0x5a: {  	[bflag:$0x3] =	sbarrier.arrive $0xFFFF  }
0x5b: {  	_ =	shalt  }

// kernel: kernel.14.cloned.1.call-start
scs
__scs_entry_jumppad:
0x0: {  	(pc) =	sbr.rel $0x88, $3  }
0x1: {  	(tag) =	ssettag $0x0;
	lr =	simm.s32 $0x1  }
0x2: {  	[smem:$0x3F98] =	sst lr;
	_ =	strace $0xD0000000  }
0x3: {  	_ = 	snop  }
0x4: {  	_ = 	snop  }
0x5: {  	_ = 	snop  }
0x6: {  	_ = 	snop  }
0x7: {  	_ = 	snop  }
__scs_overlays_trampoline_lowered:
0x8: {  	[smem:$0x3FA7] =	sst s0  }
0x9: {  	[smem:$0x3FA8] =	sst s1  }
0xa: {  	[smem:$0x3FA9] =	sst s2  }
0xb: {  	[smem:$0x3FAA] =	sst s3  }
0xc: {  	[smem:$0x3FAB] =	sst s4  }
0xd: {  	[smem:$0x3FAC] =	sst s5  }
0xe: {  	[smem:$0x3FAD] =	sst s6  }
0xf: {  	[smem:$0x3FAE] =	sst s7  }
0x10: {  	[smem:$0x3FAF] =	sst s8  }
0x11: {  	[smem:$0x3FB0] =	sst s9;
	s0 =	simm.s32 @!p0 $0x0  }
0x12: {  	s1 =	sld [smem:$0x3F96];
	s0 =	simm.s32 @p0 $0x1  }
0x13: {  	[smem:$0x3FB1] =	sst s0;
	s0 =	simm.s32 @!p1 $0x0  }
0x14: {  	s2 =	sld [smem:$0x3F95];
	s0 =	simm.s32 @p1 $0x1  }
0x15: {  	[smem:$0x3FB2] =	sst s0;
	s0 =	simm.s32 @!p2 $0x0  }
0x16: {  	s3 =	sld [smem:$0x3FDB];
	s0 =	simm.s32 @p2 $0x1  }
0x17: {  	s4 =	simm.s32 $0x1BF5;
	[smem:$0x3FB4] =	sst s0  }
0x18: {  	s0 =	sld [smem:$0x3F97];
	_ =	swait.ge [sflag:s4], $0x0  }
0x19: {  	s7 =	sld [smem:$0x3F98]  }
0x1a: {  	s8 =	sadd.s32 $0xFFFFE003, lr  }
0x1b: {  	s9 =	sadd.s32 $0xFFFFFEF7, lr;
	s5 =	simm.s32 $0xFFFFFFFF;
	p2 =	slt.u32 s8, $0xFFFFF086  }
0x1c: {  	p1 =	slt.u32 s9, $0xF7A;
	s5 =	simm.s32 @!p2 $0x0  }
0x1d: {  	s5 =	simm.s32 @p1 $0x1;
	p0 =	seq.s32 s7, s2  }
0x1e: {  	s7 =	smul.u32 @!p0 $0xF7A, s2;
	p2 =	seq.s32 @!p0 s5, $0x0  }
0x1f: {  	s9 =	smul.u32 $0xF7A, s1;
	s8 =	simm.s32 @!p0 $0x1BF5;
	p2 =	por !p2, p0  }
0x20: {  	[sflag:s8] =	ssyncset.s32 @!p0 $0xFFFFF086;
	s6 =	sadd.s32 @!p0 s3, s7;
	s7 =	simm.s32 @!p0 $0x108  }
0x21: {  	s3 =	sadd.s32 s3, s9;
	s6 =	sadd.s32 @!p0 $0x88, s6;
	s7 =	simm.s32 @p2 $0x1082  }
0x22: {  	[simem:s7], [sflag:s8] =	dma.local @!p0 [hbm:s6], $0xF7A  }
0x23: {  	s9 =	sor.u32 $0xD0000000, s2;
	s6 =	simm.s32 $0x108;
	_ =	swait.ge @!p0 [sflag:s8], $0x0  }
0x24: {  	s3 =	sadd.s32 $0x88, s3;
	s6 =	simm.s32 @!p1 $0x1082;
	[sflag:s4] =	ssyncset.s32 $0xFFFFF086  }
0x25: {  	[simem:s6], [sflag:s4] =	dma.local [hbm:s3], $0xF7A  }
0x26: {  	[smem:$0x3F98] =	sst s1;
	(tag) =	ssettag s2;
	_ =	strace s9  }
0x27: {  	s1 =	sld [smem:$0x3FA8]  }
0x28: {  	s2 =	sld [smem:$0x3FA9]  }
0x29: {  	s4 =	sld [smem:$0x3FAB]  }
0x2a: {  	p0 =	seq.s32 s5, $0x0;
	s5 =	sld [smem:$0x3FAC]  }
0x2b: {  	s6 =	sld [smem:$0x3FAD]  }
0x2c: {  	s7 =	sld [smem:$0x3FAE]  }
0x2d: {  	s3 =	simm.s32 $0x108;
	s8 =	sld [smem:$0x3FAF]  }
0x2e: {  	s3 =	simm.s32 @!p0 $0x1082;
	s9 =	sld [smem:$0x3FB0]  }
0x2f: {  	lr =	sadd.s32 s0, s3;
	s0 =	sld [smem:$0x3FA7]  }
0x30: {  	s3 =	sld [smem:$0x3FAA]  }
0x31: {  	[smem:$0x3FB3] =	sst s10  }
0x32: {  	s10 =	sld [smem:$0x3FB1];
	_ =	sdelay $0x3  }
0x33: {  	p0 =	seq.s32 s10, $0x1;
	s10 =	sld [smem:$0x3FB3];
	_ =	sdelay $0x3  }
0x34: {  	[smem:$0x3FB3] =	sst s10  }
0x35: {  	s10 =	sld [smem:$0x3FB2];
	_ =	sdelay $0x3  }
0x36: {  	p1 =	seq.s32 s10, $0x1;
	s10 =	sld [smem:$0x3FB3];
	_ =	sdelay $0x3  }
0x37: {  	[smem:$0x3FB3] =	sst s10  }
0x38: {  	s10 =	sld [smem:$0x3FB4]  }
0x39: {  	_ = 	snop;
	(pc) =	sbr.ind lr, $3  }
0x3a: {  	_ = 	snop  }
0x3b: {  	_ = 	snop  }
0x3c: {  	p2 =	seq.s32 s10, $0x1;
	s10 =	sld [smem:$0x3FB3]  }
0x3d: {  	_ =	shalt  }
0x3e: {  	_ =	shalt  }
0x3f: {  	_ =	shalt  }
0x40: {  	_ =	shalt  }
0x41: {  	_ =	shalt  }
0x42: {  	_ =	shalt  }
0x43: {  	_ =	shalt  }
0x44: {  	_ =	shalt  }
0x45: {  	_ =	shalt  }
0x46: {  	_ =	shalt  }
0x47: {  	_ =	shalt  }
0x48: {  	_ =	shalt  }
0x49: {  	_ =	shalt  }
0x4a: {  	_ =	shalt  }
0x4b: {  	_ =	shalt  }
0x4c: {  	_ =	shalt  }
0x4d: {  	_ =	shalt  }
0x4e: {  	_ =	shalt  }
0x4f: {  	_ =	shalt  }
0x50: {  	_ =	shalt  }
0x51: {  	_ =	shalt  }
0x52: {  	_ =	shalt  }
0x53: {  	_ =	shalt  }
0x54: {  	_ =	shalt  }
0x55: {  	_ =	shalt  }
0x56: {  	_ =	shalt  }
0x57: {  	_ =	shalt  }
0x58: {  	_ =	shalt  }
0x59: {  	_ =	shalt  }
0x5a: {  	_ =	shalt  }
0x5b: {  	_ =	shalt  }
0x5c: {  	_ =	shalt  }
0x5d: {  	_ =	shalt  }
0x5e: {  	_ =	shalt  }
0x5f: {  	_ =	shalt  }
0x60: {  	_ =	shalt  }
0x61: {  	_ =	shalt  }
0x62: {  	_ =	shalt  }
0x63: {  	_ =	shalt  }
0x64: {  	_ =	shalt  }
0x65: {  	_ =	shalt  }
0x66: {  	_ =	shalt  }
0x67: {  	_ =	shalt  }
0x68: {  	_ =	shalt  }
0x69: {  	_ =	shalt  }
0x6a: {  	_ =	shalt  }
0x6b: {  	_ =	shalt  }
0x6c: {  	_ =	shalt  }
0x6d: {  	_ =	shalt  }
0x6e: {  	_ =	shalt  }
0x6f: {  	_ =	shalt  }
0x70: {  	_ =	shalt  }
0x71: {  	_ =	shalt  }
0x72: {  	_ =	shalt  }
0x73: {  	_ =	shalt  }
0x74: {  	_ =	shalt  }
0x75: {  	_ =	shalt  }
0x76: {  	_ =	shalt  }
0x77: {  	_ =	shalt  }
0x78: {  	_ =	shalt  }
0x79: {  	_ =	shalt  }
0x7a: {  	_ =	shalt  }
0x7b: {  	_ =	shalt  }
0x7c: {  	_ =	shalt  }
0x7d: {  	_ =	shalt  }
0x7e: {  	_ =	shalt  }
0x7f: {  	_ =	shalt  }
0x80: {  	_ =	shalt  }
0x81: {  	_ =	shalt  }
0x82: {  	_ =	shalt  }
0x83: {  	_ =	shalt  }
0x84: {  	_ =	shalt  }
0x85: {  	_ =	shalt  }
0x86: {  	_ =	shalt  }
0x87: {  	_ =	shalt  }
.Lfunc_end0:
.L_simem_size_0:
called_computation.2_lowered:
.L_overlay_start_0:
0x88: {  	s2 =	sld [smem:$0x3FD9]  }
0x89: {  	s3 =	sld [smem:$0x3FFE];
	_ =	sdelay $0x1  }
0x8a: {  	s1 =	srdreg.scid  }
0x8b: {  	s0 =	sand.u32 $0x1, s1  }
0x8c: {  	s16 =	sshll.u32 s0, $0xA;
	s2 =	sadd.s32 s3, s2  }
0x8d: {  	s2 =	sadd.s32 s2, s16  }
0x8e: {  	[smem:$0x3FBF] =	sst s2  }
0x8f: {  	_ = 	snop  }
0x90: {  	(tm) =	ssettm $0x1  }
0x91: {  	s17 =	sld [smem:$0x3FFB];
	_ =	sdelay $0x3  }
0x92: {  	_ =	strace s17  }
0x93: {  	s2 =	sld [smem:$0x3FFC];
	_ =	sdelay $0x3  }
0x94: {  	_ =	strace s2  }
0x95: {  	s2 =	sld [smem:$0x3FFD];
	_ =	sdelay $0x3  }
0x96: {  	_ =	strace s2  }
0x97: {  	_ =	strace $0x8FFFFFFF  }
0x98: {  	s18 =	sld [smem:$0x3FDB];
	_ =	sdelay $0x1  }
0x99: {  	s19 =	simm.s32 $_scs_section_size  }
0x9a: {  	s4 =	simm.s32 $_size__tile_overlayer_lowered;
	s5 =	simm.s32 $_tile_overlayer_lowered  }
0x9b: {  	s22 =	simm.s32 $0x1BFF;
	s21 =	sshll.u32 s5, $0x1;
	s2 =	sadd.s32 s19, s18  }
0x9c: {  	s6 =	simm.s32 $0x0;
	s20 =	sshll.u32 s4, $0x1;
	s4 =	sadd.s32 s21, s2  }
0x9d: {  	[timem:s6], [sflag:s22] =	dma.local [hbm:s4], s20  }
0x9e: {  	_ =	swait.ge [sflag:s22], s20  }
0x9f: {  	s3 =	ssub.s32 $0x0, s20;
	[sflag:s22] =	ssyncset.done $0x0  }
0xa0: {  	[sflag:s22] =	ssyncadd.s32 s3;
	_ =	sdelay $0x1  }
0xa1: {  	s23 =	simm.s32 $0x1B8B  }
0xa2: {  	_ =	swait.ge [sflag:s23], $0x1  }
0xa3: {  	[sflag:s23] =	ssyncset.done $0x0  }
0xa4: {  	s25 =	simm.s32 $0x1B8E;
	s24 =	sld [smem:$0x3FFE];
	[sflag:s23] =	ssyncadd.s32 $0xFFFFFFFF  }
0xa5: {  	s26 =	simm.s32 $execute0_lowered;
	[smem:$0x3FD2] =	sst s25  }
0xa6: {  	s4 =	sshll.u32 s26, $0x1;
	_ =	strace $0x8000004C;
	[dreg:$0x1] =	wrdreg $0xFFFFFFFF  }
0xa7: {  	s28 =	simm.s32 $_size_execute0_lowered;
	s2 =	sadd.s32 s2, s4;
	[dreg:$0x0] =	wrdreg $0x0  }
0xa8: {  	s4 =	sshll.u32 s28, $0x1;
	[dreg:$0x2] =	wrdreg s2  }
0xa9: {  	[dreg:$0x3] =	wrdreg s4  }
0xaa: {  	[dreg:$0x4] =	wrdreg $0xC0  }
0xab: {  	_ =	task [dreg:s6], $0x5FFFF  }
0xac: {  	[dreg:$0x1] =	wrdreg $0xFFFFFFFF  }
0xad: {  	[dreg:$0x0] =	wrdreg $0x60  }
0xae: {  	[dreg:$0x2] =	wrdreg s24  }
0xaf: {  	[dreg:$0x3] =	wrdreg $0x0  }
0xb0: {  	[dreg:$0x4] =	wrdreg $0x9  }
0xb1: {  	_ =	task.clear_ibuf [dreg:s6], $0x5FFFF;
	_ =	strace $0x9000004C  }
0xb2: {  	s29 =	simm.s32 $0x9;
	_ =	strace $0x8000004E  }
0xb3: {  	_ =	swait.ge [sflag:s29], $0x1  }
0xb4: {  	[sflag:s29] =	ssyncadd.s32 $0xFFFFFFFF  }
0xb5: {  	_ =	strace $0x9000004E  }
0xb6: {  	_ =	sfence  }
0xb7: {  	s30 =	sld [smem:$0x0];
	_ =	sdelay $0x2  }
0xb8: {  	s31 =	sshll.u32 s1, $0xD;
	s1 =	sshrl.u32 s1, $0x2  }
0xb9: {  	s3 =	sand.u32 $0x4000, s31;
	s1 =	sadd.s32 s1, s30  }
0xba: {  	s0 =	sor.u32 s3, s0;
	s1 =	sshll.u32 s1, $0x11  }
0xbb: {  	s0 =	sor.u32 s1, s0  }
0xbc: {  	s0 =	sadd.s32 $0x8F2B, s0  }
0xbd: {  	[sflag:s0] =	ssyncadd.remote.s32 $0x1  }
0xbe: {  	_ =	sfence.sel $0xFFFF  }
0xbf: {  	[dreg:$0x0] =	wrdreg $0xFFFFFFFF;
	(pc) =	sbr.abs _section_cstart, $3  }
0xc0: {  	[dreg:$0x1] =	wrdreg $0xFFFFFFFF  }
0xc1: {  	_ =	task.clear_ibuf [dreg:s6], $0x2FFFF;
	_ =	strace $0x9FFFFFFF  }
0xc2: {  	(tm) =	ssettm $0x7FFFFFFF  }
0xc3: {  	_ =	shalt  }
tec
execute0_lowered:
.L_overlay_start_1:
0x0: {  	(tag) =	ssettag $0x1  }
0x1: {  	s5 =	rddreg [dreg:$0x0]  }
0x2: {  	s2 =	rddreg [dreg:$0x1]  }
0x3: {  	s0 =	rddreg [dreg:$0x2]  }
0x4: {  	s4 =	srdreg.scid;
	s1 =	stileid.u32  }
0x5: {  	s3 =	simm.s32 $0x0;
	s13 =	simm.s32 $0x14000;
	s14 =	simm.s32 $0x14080  }
0x6: {  	s15 =	simm.s32 $0x50;
	s16 =	simm.s32 $0x14100;
	s7 =	smul.u32 $0x4E20, s1  }
0x7: {  	s17 =	simm.s32 $0x1;
	s18 =	simm.s32 $0x0;
	s29 =	smul.u32 $0x50000, s1  }
0x8: {  	s6 =	sand.u32 $0x1, s4;
	[smem:$0x7FF] =	sst s3;
	s9 =	smul.u32 $0x2800, s1  }
0x9: {  	s4 =	sadd.s32 $0x17C00, s5;
	s31 =	sshll.u32 s1, $0x6;
	s8 =	smul.u32 $0x2710, s6  }
0xa: {  	_ =	strace $0x8000004D;
	s10 =	ssub.s32 $0x2, s6;
	p0 =	seq.s32 s6, $0x1  }
0xb: {  	s6 =	sor.u32 $0x1C02, s31;
	s30 =	sshrl.u32 s10, $0x1;
	s7 =	sadd.s32 s8, s7  }
0xc: {  	s9 =	sadd.s32 s9, s5;
	s8 =	sshrl.u32 s29, $0x2;
	s7 =	sshrl.u32 s7, $0x3  }
0xd: {  	s11 =	sadd.s32 s7, s5;
	s7 =	ssub.s32 s10, s30;
	s10 =	simm.s32 $0xB7C00  }
0xe: {  	s12 =	sadd.s32 s8, s2;
	s5 =	sadd.s32 $0x67C00, s9;
	s10 =	simm.s32 @!p0 $0x8FC00  }
0xf: {  	s7 =	smax.u32 s7, $0x1;
	s8 =	sadd.s32 s10, s9;
	s9 =	sadd.s32 $0xDE00, s11  }
0x10: {  	s10 =	sadd.s32 $0x4000, s11;
	s11 =	sshrl.u32 s12, $0x3;
	s12 =	simm.s32 $0x2  }
.LBB2_1:
0x11: {  	[spmem:s11], [sflag:s6] =	dma.local [hbm:s5], $0x2800  }
0x12: {  	_ =	swait.ge [sflag:s12], $0x2800  }
0x13: {  	[sflag:s12] =	ssyncset.done $0x0  }
0x14: {  	[sflag:s12] =	ssyncadd.s32 $0xFFFFD800  }
0x15: {  	s19 =	sadd.s32 $0x0, s10;
	[bflag:$0x0] =	sbarrier.arrive $0xFFFF  }
0x16: {  	[tilespmem:s13], [sflag:$0x2] =	stream.linear.gather [hbm4b:s19+s3], $0x50, $0x38;
	[tilespmem:$0x16900] =	vst v63  }
0x17: {  	_ =	swait.ge [sflag:s12], $0x50  }
0x18: {  	[sflag:s12] =	ssyncset.done $0x0  }
0x19: {  	s31 =	sadd.s32 $0x0, s9;
	[sflag:s12] =	ssyncadd.s32 $0xFFFFFFB0  }
0x1a: {  	[tilespmem:s14], [sflag:$0x2] =	stream.linear.gather [hbm4b:s31+s3], $0x50, $0x38;
	[tilespmem:$0x16900] =	vst v63  }
0x1b: {  	_ =	swait.ge [sflag:s12], $0x50  }
0x1c: {  	[sflag:s12] =	ssyncset.done $0x0  }
0x1d: {  	[sflag:s12] =	ssyncadd.s32 $0xFFFFFFB0  }
0x1e: {  	[tilespmem:s16], [sflag:$0x1] =	stream.indirect.gather [hbm4b:s4+s15], $0x80, s13, s15, $0xb8;
	[tilespmem:$0x16900] =	vst v63  }
0x1f: {  	_ =	swait.ge [sflag:s17], $0x2800  }
0x20: {  	[sflag:s17] =	ssyncset.done $0x0  }
0x21: {  	[sflag:s17] =	ssyncadd.s32 $0xFFFFD800  }
0x22: {  	[spmem:s2] =	stream.indirect.scatter.add.f32 [tilespmem:s16], [sflag:$0x2], $0x80, s14, s15, $0xb8;
	[tilespmem:$0x16900] =	vst v63  }
0x23: {  	_ =	swait.ge [sflag:s12], $0x2800  }
0x24: {  	s20 =	simm.s32 $0x14;
	s19 =	simm.s32 $0xA;
	[sflag:s12] =	ssyncset.done $0x0  }
.LBB2_2:
0x25: {  	s21 =	sadd.s32 s19, s10  }
0x26: {  	[sflag:s12] =	ssyncadd.s32 $0xFFFFD800;
	s22 =	smov.u32 s20;
	s23 =	sadd.s32 $0xA, s20  }
0x27: {  	[tilespmem:s13], [sflag:$0x2] =	stream.linear.gather [hbm4b:s21+s3], $0x50, $0x38;
	[tilespmem:$0x16900] =	vst v63  }
0x28: {  	p0 =	sne.s32 s20, $0x4D8;
	_ =	swait.ge [sflag:s12], $0x50  }
0x29: {  	[sflag:s12] =	ssyncset.done $0x0  }
0x2a: {  	s20 =	sadd.s32 s19, s9;
	s19 =	smov.u32 s22;
	[sflag:s12] =	ssyncadd.s32 $0xFFFFFFB0  }
0x2b: {  	[tilespmem:s14], [sflag:$0x2] =	stream.linear.gather [hbm4b:s20+s3], $0x50, $0x38;
	[tilespmem:$0x16900] =	vst v63  }
0x2c: {  	_ =	swait.ge [sflag:s12], $0x50  }
0x2d: {  	[sflag:s12] =	ssyncset.done $0x0  }
0x2e: {  	[sflag:s12] =	ssyncadd.s32 $0xFFFFFFB0  }
0x2f: {  	[tilespmem:s16], [sflag:$0x1] =	stream.indirect.gather [hbm4b:s4+s15], $0x80, s13, s15, $0xb8;
	[tilespmem:$0x16900] =	vst v63  }
0x30: {  	_ =	swait.ge [sflag:s17], $0x2800  }
.Ltmp0:
0x31: {  	[sflag:s17] =	ssyncset.done $0x0;
	(pc) =	sbr.rel @p0 .LBB2_2-.Ltmp0, $4  }
0x32: {  	[sflag:s17] =	ssyncadd.s32 $0xFFFFD800  }
0x33: {  	[spmem:s2] =	stream.indirect.scatter.add.f32 [tilespmem:s16], [sflag:$0x2], $0x80, s14, s15, $0xb8;
	[tilespmem:$0x16900] =	vst v63  }
0x34: {  	_ =	swait.ge [sflag:s12], $0x2800  }
0x35: {  	s20 =	smov.u32 s23;
	[sflag:s12] =	ssyncset.done $0x0  }
0x36: {  	s20 =	sadd.s32 s19, s10;
	[sflag:s12] =	ssyncadd.s32 $0xFFFFD800  }
0x37: {  	[tilespmem:s13], [sflag:$0x2] =	stream.linear.gather [hbm4b:s20+s3], $0x50, $0x38;
	[tilespmem:$0x16900] =	vst v63  }
0x38: {  	_ =	swait.ge [sflag:s12], $0x50  }
0x39: {  	[sflag:s12] =	ssyncset.done $0x0  }
0x3a: {  	s31 =	sadd.s32 s19, s9;
	[sflag:s12] =	ssyncadd.s32 $0xFFFFFFB0  }
0x3b: {  	[tilespmem:s14], [sflag:$0x2] =	stream.linear.gather [hbm4b:s31+s3], $0x50, $0x38;
	[tilespmem:$0x16900] =	vst v63  }
0x3c: {  	_ =	swait.ge [sflag:s12], $0x50  }
0x3d: {  	[sflag:s12] =	ssyncset.done $0x0  }
0x3e: {  	[sflag:s12] =	ssyncadd.s32 $0xFFFFFFB0  }
0x3f: {  	[tilespmem:s16], [sflag:$0x1] =	stream.indirect.gather [hbm4b:s4+s15], $0x80, s13, s15, $0xb8;
	[tilespmem:$0x16900] =	vst v63  }
0x40: {  	_ =	swait.ge [sflag:s17], $0x2800  }
0x41: {  	[sflag:s17] =	ssyncset.done $0x0  }
0x42: {  	[sflag:s17] =	ssyncadd.s32 $0xFFFFD800  }
0x43: {  	[spmem:s2] =	stream.indirect.scatter.add.f32 [tilespmem:s16], [sflag:$0x2], $0x80, s14, s15, $0xb8;
	[tilespmem:$0x16900] =	vst v63  }
0x44: {  	_ =	swait.ge [sflag:s12], $0x2800  }
0x45: {  	s18 =	sadd.s32 $0x1, s18;
	[sflag:s12] =	ssyncset.done $0x0  }
0x46: {  	p0 =	sne.s32 s18, s7;
	[sflag:s12] =	ssyncadd.s32 $0xFFFFD800  }
.Ltmp1:
0x47: {  	[bflag:$0x0] =	sbarrier.arrive $0xFFFF;
	(pc) =	sbr.rel @p0 .LBB2_1-.Ltmp1, $4  }
0x48: {  	[hbm:s8], [sflag:s6] =	dma.local [spmem:s11], $0x2800  }
0x49: {  	_ =	swait.ge [sflag:s12], $0x2800  }
0x4a: {  	[sflag:s12] =	ssyncset.done $0x0  }
0x4b: {  	[sflag:s12] =	ssyncadd.s32 $0xFFFFD800  }
0x4c: {  	_ =	sfence.sel $0x180000  }
0x4d: {  	[bflag:$0x0] =	sbarrier.arrive $0xFFFF  }
0x4e: {  	p0 =	sne.s32 s1, $0x0;
	_ =	strace $0x9000004D  }
0x4f: {  	s0 =	sadd.s32 @!p0 $0x100000, s0;
	[bflag:$0x2] =	sbarrier.arrive $0xFFFF  }
0x50: {  	[sflag:s0] =	ssyncadd.tile.s32 @!p0 $0x1;
	_ =	shalt  }
.Lfunc_end2:
_tile_overlayer_lowered:
.L_overlay_start_2:
0x51: {  	(tag) =	ssettag $0x2  }
0x52: {  	s0 =	rddreg [dreg:$0x0];
	s2 =	stileid.u32  }
0x53: {  	s1 =	rddreg [dreg:$0x1];
	p0 =	sne.s32 s2, $0x0  }
0x54: {  	s3 =	rddreg [dreg:$0x2];
	[bflag:$0x3] =	sbarrier.arrive $0xFFFF;
	s2 =	simm.s32 @!p0 $0x1C02  }
0x55: {  	[timem:s3], [sflag:s2] =	dma.local @!p0 [hbm:s0], s1  }
0x56: {  	s0 =	simm.s32 @!p0 $0x2  }
0x57: {  	_ =	swait.ge @!p0 [sflag:s0], s1  }
0x58: {  	s1 =	ssub.s32 @!p0 $0x0, s1;
	[sflag:s0] =	ssyncset.done @!p0 $0x0  }
0x59: {  	[sflag:s0] =	ssyncadd.s32 @!p0 s1  }
0x5a: {  	[bflag:$0x3] =	sbarrier.arrive $0xFFFF  }
0x5b: {  	_ =	shalt  }

// kernel: kernel.8.cloned.1.call-start
scs
__scs_entry_jumppad:
0x0: {  	(pc) =	sbr.rel $0x88, $3  }
0x1: {  	(tag) =	ssettag $0x0;
	lr =	simm.s32 $0x1  }
0x2: {  	[smem:$0x3F98] =	sst lr;
	_ =	strace $0xD0000000  }
0x3: {  	_ = 	snop  }
0x4: {  	_ = 	snop  }
0x5: {  	_ = 	snop  }
0x6: {  	_ = 	snop  }
0x7: {  	_ = 	snop  }
__scs_overlays_trampoline_lowered:
0x8: {  	[smem:$0x3FA7] =	sst s0  }
0x9: {  	[smem:$0x3FA8] =	sst s1  }
0xa: {  	[smem:$0x3FA9] =	sst s2  }
0xb: {  	[smem:$0x3FAA] =	sst s3  }
0xc: {  	[smem:$0x3FAB] =	sst s4  }
0xd: {  	[smem:$0x3FAC] =	sst s5  }
0xe: {  	[smem:$0x3FAD] =	sst s6  }
0xf: {  	[smem:$0x3FAE] =	sst s7  }
0x10: {  	[smem:$0x3FAF] =	sst s8  }
0x11: {  	[smem:$0x3FB0] =	sst s9;
	s0 =	simm.s32 @!p0 $0x0  }
0x12: {  	s1 =	sld [smem:$0x3F96];
	s0 =	simm.s32 @p0 $0x1  }
0x13: {  	[smem:$0x3FB1] =	sst s0;
	s0 =	simm.s32 @!p1 $0x0  }
0x14: {  	s2 =	sld [smem:$0x3F95];
	s0 =	simm.s32 @p1 $0x1  }
0x15: {  	[smem:$0x3FB2] =	sst s0;
	s0 =	simm.s32 @!p2 $0x0  }
0x16: {  	s3 =	sld [smem:$0x3FDB];
	s0 =	simm.s32 @p2 $0x1  }
0x17: {  	s4 =	simm.s32 $0x1BF5;
	[smem:$0x3FB4] =	sst s0  }
0x18: {  	s0 =	sld [smem:$0x3F97];
	_ =	swait.ge [sflag:s4], $0x0  }
0x19: {  	s7 =	sld [smem:$0x3F98]  }
0x1a: {  	s8 =	sadd.s32 $0xFFFFE003, lr  }
0x1b: {  	s9 =	sadd.s32 $0xFFFFFEF7, lr;
	s5 =	simm.s32 $0xFFFFFFFF;
	p2 =	slt.u32 s8, $0xFFFFF086  }
0x1c: {  	p1 =	slt.u32 s9, $0xF7A;
	s5 =	simm.s32 @!p2 $0x0  }
0x1d: {  	s5 =	simm.s32 @p1 $0x1;
	p0 =	seq.s32 s7, s2  }
0x1e: {  	s7 =	smul.u32 @!p0 $0xF7A, s2;
	p2 =	seq.s32 @!p0 s5, $0x0  }
0x1f: {  	s9 =	smul.u32 $0xF7A, s1;
	s8 =	simm.s32 @!p0 $0x1BF5;
	p2 =	por !p2, p0  }
0x20: {  	[sflag:s8] =	ssyncset.s32 @!p0 $0xFFFFF086;
	s6 =	sadd.s32 @!p0 s3, s7;
	s7 =	simm.s32 @!p0 $0x108  }
0x21: {  	s3 =	sadd.s32 s3, s9;
	s6 =	sadd.s32 @!p0 $0x88, s6;
	s7 =	simm.s32 @p2 $0x1082  }
0x22: {  	[simem:s7], [sflag:s8] =	dma.local @!p0 [hbm:s6], $0xF7A  }
0x23: {  	s9 =	sor.u32 $0xD0000000, s2;
	s6 =	simm.s32 $0x108;
	_ =	swait.ge @!p0 [sflag:s8], $0x0  }
0x24: {  	s3 =	sadd.s32 $0x88, s3;
	s6 =	simm.s32 @!p1 $0x1082;
	[sflag:s4] =	ssyncset.s32 $0xFFFFF086  }
0x25: {  	[simem:s6], [sflag:s4] =	dma.local [hbm:s3], $0xF7A  }
0x26: {  	[smem:$0x3F98] =	sst s1;
	(tag) =	ssettag s2;
	_ =	strace s9  }
0x27: {  	s1 =	sld [smem:$0x3FA8]  }
0x28: {  	s2 =	sld [smem:$0x3FA9]  }
0x29: {  	s4 =	sld [smem:$0x3FAB]  }
0x2a: {  	p0 =	seq.s32 s5, $0x0;
	s5 =	sld [smem:$0x3FAC]  }
0x2b: {  	s6 =	sld [smem:$0x3FAD]  }
0x2c: {  	s7 =	sld [smem:$0x3FAE]  }
0x2d: {  	s3 =	simm.s32 $0x108;
	s8 =	sld [smem:$0x3FAF]  }
0x2e: {  	s3 =	simm.s32 @!p0 $0x1082;
	s9 =	sld [smem:$0x3FB0]  }
0x2f: {  	lr =	sadd.s32 s0, s3;
	s0 =	sld [smem:$0x3FA7]  }
0x30: {  	s3 =	sld [smem:$0x3FAA]  }
0x31: {  	[smem:$0x3FB3] =	sst s10  }
0x32: {  	s10 =	sld [smem:$0x3FB1];
	_ =	sdelay $0x3  }
0x33: {  	p0 =	seq.s32 s10, $0x1;
	s10 =	sld [smem:$0x3FB3];
	_ =	sdelay $0x3  }
0x34: {  	[smem:$0x3FB3] =	sst s10  }
0x35: {  	s10 =	sld [smem:$0x3FB2];
	_ =	sdelay $0x3  }
0x36: {  	p1 =	seq.s32 s10, $0x1;
	s10 =	sld [smem:$0x3FB3];
	_ =	sdelay $0x3  }
0x37: {  	[smem:$0x3FB3] =	sst s10  }
0x38: {  	s10 =	sld [smem:$0x3FB4]  }
0x39: {  	_ = 	snop;
	(pc) =	sbr.ind lr, $3  }
0x3a: {  	_ = 	snop  }
0x3b: {  	_ = 	snop  }
0x3c: {  	p2 =	seq.s32 s10, $0x1;
	s10 =	sld [smem:$0x3FB3]  }
0x3d: {  	_ =	shalt  }
0x3e: {  	_ =	shalt  }
0x3f: {  	_ =	shalt  }
0x40: {  	_ =	shalt  }
0x41: {  	_ =	shalt  }
0x42: {  	_ =	shalt  }
0x43: {  	_ =	shalt  }
0x44: {  	_ =	shalt  }
0x45: {  	_ =	shalt  }
0x46: {  	_ =	shalt  }
0x47: {  	_ =	shalt  }
0x48: {  	_ =	shalt  }
0x49: {  	_ =	shalt  }
0x4a: {  	_ =	shalt  }
0x4b: {  	_ =	shalt  }
0x4c: {  	_ =	shalt  }
0x4d: {  	_ =	shalt  }
0x4e: {  	_ =	shalt  }
0x4f: {  	_ =	shalt  }
0x50: {  	_ =	shalt  }
0x51: {  	_ =	shalt  }
0x52: {  	_ =	shalt  }
0x53: {  	_ =	shalt  }
0x54: {  	_ =	shalt  }
0x55: {  	_ =	shalt  }
0x56: {  	_ =	shalt  }
0x57: {  	_ =	shalt  }
0x58: {  	_ =	shalt  }
0x59: {  	_ =	shalt  }
0x5a: {  	_ =	shalt  }
0x5b: {  	_ =	shalt  }
0x5c: {  	_ =	shalt  }
0x5d: {  	_ =	shalt  }
0x5e: {  	_ =	shalt  }
0x5f: {  	_ =	shalt  }
0x60: {  	_ =	shalt  }
0x61: {  	_ =	shalt  }
0x62: {  	_ =	shalt  }
0x63: {  	_ =	shalt  }
0x64: {  	_ =	shalt  }
0x65: {  	_ =	shalt  }
0x66: {  	_ =	shalt  }
0x67: {  	_ =	shalt  }
0x68: {  	_ =	shalt  }
0x69: {  	_ =	shalt  }
0x6a: {  	_ =	shalt  }
0x6b: {  	_ =	shalt  }
0x6c: {  	_ =	shalt  }
0x6d: {  	_ =	shalt  }
0x6e: {  	_ =	shalt  }
0x6f: {  	_ =	shalt  }
0x70: {  	_ =	shalt  }
0x71: {  	_ =	shalt  }
0x72: {  	_ =	shalt  }
0x73: {  	_ =	shalt  }
0x74: {  	_ =	shalt  }
0x75: {  	_ =	shalt  }
0x76: {  	_ =	shalt  }
0x77: {  	_ =	shalt  }
0x78: {  	_ =	shalt  }
0x79: {  	_ =	shalt  }
0x7a: {  	_ =	shalt  }
0x7b: {  	_ =	shalt  }
0x7c: {  	_ =	shalt  }
0x7d: {  	_ =	shalt  }
0x7e: {  	_ =	shalt  }
0x7f: {  	_ =	shalt  }
0x80: {  	_ =	shalt  }
0x81: {  	_ =	shalt  }
0x82: {  	_ =	shalt  }
0x83: {  	_ =	shalt  }
0x84: {  	_ =	shalt  }
0x85: {  	_ =	shalt  }
0x86: {  	_ =	shalt  }
0x87: {  	_ =	shalt  }
.Lfunc_end0:
.L_simem_size_0:
called_computation_lowered:
.L_overlay_start_0:
0x88: {  	s2 =	sld [smem:$0x3FD9]  }
0x89: {  	s3 =	sld [smem:$0x3FFE];
	_ =	sdelay $0x1  }
0x8a: {  	s1 =	srdreg.scid  }
0x8b: {  	s0 =	sand.u32 $0x1, s1  }
0x8c: {  	s16 =	sshll.u32 s0, $0xA;
	s2 =	sadd.s32 s3, s2  }
0x8d: {  	s2 =	sadd.s32 s2, s16  }
0x8e: {  	[smem:$0x3FBF] =	sst s2  }
0x8f: {  	_ = 	snop  }
0x90: {  	(tm) =	ssettm $0x1  }
0x91: {  	s17 =	sld [smem:$0x3FFB];
	_ =	sdelay $0x3  }
0x92: {  	_ =	strace s17  }
0x93: {  	s2 =	sld [smem:$0x3FFC];
	_ =	sdelay $0x3  }
0x94: {  	_ =	strace s2  }
0x95: {  	s2 =	sld [smem:$0x3FFD];
	_ =	sdelay $0x3  }
0x96: {  	_ =	strace s2  }
0x97: {  	_ =	strace $0x8FFFFFFF  }
0x98: {  	s18 =	sld [smem:$0x3FDB];
	_ =	sdelay $0x1  }
0x99: {  	s19 =	simm.s32 $_scs_section_size  }
0x9a: {  	s4 =	simm.s32 $_size__tile_overlayer_lowered;
	s5 =	simm.s32 $_tile_overlayer_lowered  }
0x9b: {  	s22 =	simm.s32 $0x1BFF;
	s21 =	sshll.u32 s5, $0x1;
	s2 =	sadd.s32 s19, s18  }
0x9c: {  	s6 =	simm.s32 $0x0;
	s20 =	sshll.u32 s4, $0x1;
	s4 =	sadd.s32 s21, s2  }
0x9d: {  	[timem:s6], [sflag:s22] =	dma.local [hbm:s4], s20  }
0x9e: {  	_ =	swait.ge [sflag:s22], s20  }
0x9f: {  	s3 =	ssub.s32 $0x0, s20;
	[sflag:s22] =	ssyncset.done $0x0  }
0xa0: {  	[sflag:s22] =	ssyncadd.s32 s3;
	_ =	sdelay $0x1  }
0xa1: {  	s23 =	simm.s32 $0x1B8B  }
0xa2: {  	_ =	swait.ge [sflag:s23], $0x1  }
0xa3: {  	[sflag:s23] =	ssyncset.done $0x0  }
0xa4: {  	s25 =	simm.s32 $0x1B8E;
	s24 =	sld [smem:$0x3FFE];
	[sflag:s23] =	ssyncadd.s32 $0xFFFFFFFF  }
0xa5: {  	s26 =	simm.s32 $execute0_lowered;
	[smem:$0x3FD2] =	sst s25  }
0xa6: {  	s4 =	sshll.u32 s26, $0x1;
	_ =	strace $0x80000046;
	[dreg:$0x1] =	wrdreg $0xFFFFFFFF  }
0xa7: {  	s28 =	simm.s32 $_size_execute0_lowered;
	s2 =	sadd.s32 s2, s4;
	[dreg:$0x0] =	wrdreg $0x0  }
0xa8: {  	s4 =	sshll.u32 s28, $0x1;
	[dreg:$0x2] =	wrdreg s2  }
0xa9: {  	[dreg:$0x3] =	wrdreg s4  }
0xaa: {  	[dreg:$0x4] =	wrdreg $0xC0  }
0xab: {  	_ =	task [dreg:s6], $0x5FFFF  }
0xac: {  	[dreg:$0x1] =	wrdreg $0xFFFFFFFF  }
0xad: {  	[dreg:$0x0] =	wrdreg $0x60  }
0xae: {  	[dreg:$0x2] =	wrdreg s24  }
0xaf: {  	[dreg:$0x3] =	wrdreg $0x0  }
0xb0: {  	[dreg:$0x4] =	wrdreg $0x9  }
0xb1: {  	_ =	task.clear_ibuf [dreg:s6], $0x5FFFF;
	_ =	strace $0x90000046  }
0xb2: {  	s29 =	simm.s32 $0x9;
	_ =	strace $0x80000048  }
0xb3: {  	_ =	swait.ge [sflag:s29], $0x1  }
0xb4: {  	[sflag:s29] =	ssyncadd.s32 $0xFFFFFFFF  }
0xb5: {  	_ =	strace $0x90000048  }
0xb6: {  	_ =	sfence  }
0xb7: {  	s30 =	sld [smem:$0x0];
	_ =	sdelay $0x2  }
0xb8: {  	s31 =	sshll.u32 s1, $0xD;
	s1 =	sshrl.u32 s1, $0x2  }
0xb9: {  	s3 =	sand.u32 $0x4000, s31;
	s1 =	sadd.s32 s1, s30  }
0xba: {  	s0 =	sor.u32 s3, s0;
	s1 =	sshll.u32 s1, $0x11  }
0xbb: {  	s0 =	sor.u32 s1, s0  }
0xbc: {  	s0 =	sadd.s32 $0x8F2B, s0  }
0xbd: {  	[sflag:s0] =	ssyncadd.remote.s32 $0x1  }
0xbe: {  	_ =	sfence.sel $0xFFFF  }
0xbf: {  	[dreg:$0x0] =	wrdreg $0xFFFFFFFF;
	(pc) =	sbr.abs _section_cstart, $3  }
0xc0: {  	[dreg:$0x1] =	wrdreg $0xFFFFFFFF  }
0xc1: {  	_ =	task.clear_ibuf [dreg:s6], $0x2FFFF;
	_ =	strace $0x9FFFFFFF  }
0xc2: {  	(tm) =	ssettm $0x7FFFFFFF  }
0xc3: {  	_ =	shalt  }
tec
execute0_lowered:
.L_overlay_start_1:
0x0: {  	(tag) =	ssettag $0x1  }
0x1: {  	s1 =	srdreg.scid  }
0x2: {  	s0 =	stileid.u32;
	s4 =	rddreg [dreg:$0x0]  }
0x3: {  	s2 =	rddreg [dreg:$0x1];
	s3 =	simm.s32 $0x0;
	s12 =	simm.s32 $0x50  }
0x4: {  	s13 =	simm.s32 $0x300;
	s14 =	simm.s32 $0x0;
	s6 =	smul.u32 $0x4E20, s0  }
0x5: {  	s5 =	sand.u32 $0x1, s1;
	s1 =	rddreg [dreg:$0x2];
	s26 =	smul.u32 $0x280, s0  }
0x6: {  	[smem:$0x7FF] =	sst s3;
	s31 =	sshll.u32 s0, $0x6;
	s7 =	smul.u32 $0x2710, s5  }
0x7: {  	_ =	strace $0x80000047;
	s8 =	ssub.s32 $0x2, s5;
	p0 =	seq.s32 s5, $0x1  }
0x8: {  	s5 =	sor.u32 $0x1C01, s31;
	s28 =	sshrl.u32 s26, $0x3;
	s10 =	sshrl.u32 s8, $0x1  }
0x9: {  	s30 =	sadd.s32 s26, s2;
	s6 =	sadd.s32 s7, s6;
	s11 =	sadd.s32 s28, s4  }
0xa: {  	s29 =	ssub.s32 s8, s10;
	s8 =	simm.s32 $0x18800;
	s6 =	sshrl.u32 s6, $0x3  }
0xb: {  	s10 =	simm.s32 $0x1;
	s8 =	simm.s32 @!p0 $0x18200;
	s9 =	sadd.s32 s6, s4  }
0xc: {  	s4 =	sadd.s32 $0x17C00, s11;
	s6 =	smax.u32 s29, $0x1;
	s7 =	sadd.s32 s8, s11  }
0xd: {  	v0 =	vimm.f32 $1.000000000e+00;
	s11 =	simm.s32 $0x280;
	s8 =	sadd.s32 $0xDE00, s9;
	s9 =	sshrl.u32 s30, $0x3  }
.LBB2_1:
0xe: {  	[tilespmem:$0x300] =	vst v0  }
0xf: {  	[tilespmem:$0x310] =	vst v0  }
0x10: {  	[tilespmem:$0x320] =	vst v0  }
0x11: {  	[tilespmem:$0x330] =	vst v0  }
0x12: {  	[tilespmem:$0x340] =	vst v0  }
0x13: {  	[spmem:s9], [sflag:s5] =	dma.local [hbm:s4], $0x50  }
0x14: {  	_ =	swait.ge [sflag:s10], $0x50  }
0x15: {  	[sflag:s10] =	ssyncset.done $0x0  }
0x16: {  	[sflag:s10] =	ssyncadd.s32 $0xFFFFFFB0  }
0x17: {  	s15 =	sadd.s32 $0x0, s8;
	[bflag:$0x0] =	sbarrier.arrive $0xFFFF  }
0x18: {  	[tilespmem:s11], [sflag:$0x1] =	stream.linear.gather [hbm4b:s15+s3], $0x50, $0x38;
	[tilespmem:$0x380] =	vst v63  }
0x19: {  	_ =	swait.ge [sflag:s10], $0x50  }
0x1a: {  	[sflag:s10] =	ssyncset.done $0x0  }
0x1b: {  	[sflag:s10] =	ssyncadd.s32 $0xFFFFFFB0  }
0x1c: {  	[spmem:s2] =	stream.indirect.scatter.add.f32 [tilespmem:s13], [sflag:$0x1], $0x1, s11, s12, $0xb8;
	[tilespmem:$0x380] =	vst v63  }
0x1d: {  	_ =	swait.ge [sflag:s10], $0x50  }
0x1e: {  	s16 =	simm.s32 $0x14;
	s15 =	simm.s32 $0xA;
	[sflag:s10] =	ssyncset.done $0x0  }
.LBB2_2:
0x1f: {  	s17 =	sadd.s32 s15, s8  }
0x20: {  	[sflag:s10] =	ssyncadd.s32 $0xFFFFFFB0;
	s15 =	smov.u32 s16;
	s18 =	sadd.s32 $0xA, s16  }
0x21: {  	[tilespmem:s11], [sflag:$0x1] =	stream.linear.gather [hbm4b:s17+s3], $0x50, $0x38;
	[tilespmem:$0x380] =	vst v63  }
0x22: {  	p0 =	sne.s32 s16, $0x4D8;
	_ =	swait.ge [sflag:s10], $0x50  }
.Ltmp0:
0x23: {  	[sflag:s10] =	ssyncset.done $0x0;
	(pc) =	sbr.rel @p0 .LBB2_2-.Ltmp0, $4  }
0x24: {  	[sflag:s10] =	ssyncadd.s32 $0xFFFFFFB0  }
0x25: {  	[spmem:s2] =	stream.indirect.scatter.add.f32 [tilespmem:s13], [sflag:$0x1], $0x1, s11, s12, $0xb8;
	[tilespmem:$0x380] =	vst v63  }
0x26: {  	_ =	swait.ge [sflag:s10], $0x50  }
0x27: {  	s16 =	smov.u32 s18;
	[sflag:s10] =	ssyncset.done $0x0  }
0x28: {  	s15 =	sadd.s32 s15, s8;
	[sflag:s10] =	ssyncadd.s32 $0xFFFFFFB0  }
0x29: {  	[tilespmem:s11], [sflag:$0x1] =	stream.linear.gather [hbm4b:s15+s3], $0x50, $0x38;
	[tilespmem:$0x380] =	vst v63  }
0x2a: {  	_ =	swait.ge [sflag:s10], $0x50  }
0x2b: {  	[sflag:s10] =	ssyncset.done $0x0  }
0x2c: {  	[sflag:s10] =	ssyncadd.s32 $0xFFFFFFB0  }
0x2d: {  	[spmem:s2] =	stream.indirect.scatter.add.f32 [tilespmem:s13], [sflag:$0x1], $0x1, s11, s12, $0xb8;
	[tilespmem:$0x380] =	vst v63  }
0x2e: {  	_ =	swait.ge [sflag:s10], $0x50  }
0x2f: {  	s14 =	sadd.s32 $0x1, s14;
	[sflag:s10] =	ssyncset.done $0x0  }
0x30: {  	p0 =	sne.s32 s14, s6;
	[sflag:s10] =	ssyncadd.s32 $0xFFFFFFB0  }
.Ltmp1:
0x31: {  	[bflag:$0x0] =	sbarrier.arrive $0xFFFF;
	(pc) =	sbr.rel @p0 .LBB2_1-.Ltmp1, $4  }
0x32: {  	[hbm:s7], [sflag:s5] =	dma.local [spmem:s9], $0x50  }
0x33: {  	_ =	swait.ge [sflag:s10], $0x50  }
0x34: {  	[sflag:s10] =	ssyncset.done $0x0  }
0x35: {  	[sflag:s10] =	ssyncadd.s32 $0xFFFFFFB0  }
0x36: {  	_ =	sfence.sel $0x180000  }
0x37: {  	[bflag:$0x0] =	sbarrier.arrive $0xFFFF  }
0x38: {  	p0 =	sne.s32 s0, $0x0;
	_ =	strace $0x90000047  }
0x39: {  	s0 =	sadd.s32 @!p0 $0x100000, s1;
	[bflag:$0x2] =	sbarrier.arrive $0xFFFF  }
0x3a: {  	[sflag:s0] =	ssyncadd.tile.s32 @!p0 $0x1;
	_ =	shalt  }
.Lfunc_end2:
_tile_overlayer_lowered:
.L_overlay_start_2:
0x3b: {  	(tag) =	ssettag $0x2  }
0x3c: {  	s0 =	rddreg [dreg:$0x0];
	s2 =	stileid.u32  }
0x3d: {  	s1 =	rddreg [dreg:$0x1];
	p0 =	sne.s32 s2, $0x0  }
0x3e: {  	s3 =	rddreg [dreg:$0x2];
	[bflag:$0x3] =	sbarrier.arrive $0xFFFF;
	s2 =	simm.s32 @!p0 $0x1C01  }
0x3f: {  	[timem:s3], [sflag:s2] =	dma.local @!p0 [hbm:s0], s1  }
0x40: {  	s0 =	simm.s32 @!p0 $0x1  }
0x41: {  	_ =	swait.ge @!p0 [sflag:s0], s1  }
0x42: {  	s1 =	ssub.s32 @!p0 $0x0, s1;
	[sflag:s0] =	ssyncset.done @!p0 $0x0  }
0x43: {  	[sflag:s0] =	ssyncadd.s32 @!p0 s1  }
0x44: {  	[bflag:$0x3] =	sbarrier.arrive $0xFFFF  }
0x45: {  	_ =	shalt  }

</sc_bundles>
